<compile_context>
chip_gen: v7x
topology: tpu7x:2x2x1
jax: 0.10.2.dev20260603
libtpu: 0.0.44.dev20260713+nightly
codegen_flags: <defaults>
</compile_context>

<pallas_src>
import jax
import jax.numpy as jnp
import numpy as np
from jax import lax
from jax.experimental import pallas as pl
from jax.experimental.pallas import tpu as pltpu
from jax.experimental.pallas import tpu_sc as plsc

B = 16384
EMBED = 32
HEADS = 4
NEXP = 64
D_H = EMBED // HEADS
NTASK = 6

NC = 2
NS = 16
NW = NC * NS
B_PER_W = B // NW


def _gate_table_body(tid_ref, emb_ref, wq_ref, wk_ref, ek_ref, wg_ref,
                     itab_ref, vtab_ref, load_ref):
    f32 = jnp.float32
    dn_t = (((1,), (1,)), ((), ()))
    dn_m = (((1,), (0,)), ((), ()))
    qt = lax.dot_general(wq_ref[...], emb_ref[...], dn_t,
                         preferred_element_type=f32,
                         precision=lax.Precision.HIGHEST)
    qt = jnp.concatenate([qt, jnp.zeros((EMBED, 2), f32)], axis=1)
    k = lax.dot_general(ek_ref[...], wk_ref[...], dn_t,
                        preferred_element_type=f32,
                         precision=lax.Precision.HIGHEST)
    inv_sqrt_dh = f32(1.0 / np.sqrt(D_H))
    acc = jnp.zeros((EMBED, 8), f32)
    for h in range(HEADS):
        kh = k[:, h * D_H:(h + 1) * D_H]
        qh = qt[h * D_H:(h + 1) * D_H, :]
        s = lax.dot_general(kh, qh, dn_m,
                            preferred_element_type=f32,
                         precision=lax.Precision.HIGHEST) * inv_sqrt_dh
        s = s - jnp.max(s, axis=0, keepdims=True)
        e = jnp.exp(s)
        acc = acc + e / jnp.sum(e, axis=0, keepdims=True)
    aw = acc * f32(1.0 / HEADS)
    aw = aw - jnp.max(aw, axis=0, keepdims=True)
    ew = jnp.exp(aw)
    ew = ew / jnp.sum(ew, axis=0, keepdims=True)
    dn_0 = (((0,), (0,)), ((), ()))
    logits = lax.dot_general(wg_ref[...], ew, dn_0,
                             preferred_element_type=f32,
                         precision=lax.Precision.HIGHEST)
    row = lax.broadcasted_iota(jnp.int32, (NEXP, 8), 0)
    m1 = jnp.max(logits, axis=0, keepdims=True)
    i1 = jnp.min(jnp.where(logits == m1, row, NEXP), axis=0, keepdims=True)
    masked = jnp.where(row == i1, f32(-jnp.inf), logits)
    m2 = jnp.max(masked, axis=0, keepdims=True)
    i2 = jnp.min(jnp.where(masked == m2, row, NEXP), axis=0, keepdims=True)
    d = jnp.exp(m2 - m1)
    denom = f32(1.0) + d
    g1 = f32(1.0) / denom
    g2 = d / denom
    itab_ref[...] = jnp.concatenate([i1, i2], axis=1)
    vtab_ref[...] = jnp.concatenate([g1, g2], axis=1)
    g8t = (jnp.where(row == i1, g1, f32(0.0))
           + jnp.where(row == i2, g2, f32(0.0)))
    tid = tid_ref[...]
    lane8 = lax.broadcasted_iota(jnp.int32, (1, 8), 1)
    counts = jnp.zeros((1, 8), f32)
    for t in range(NTASK):
        cnt = jnp.sum(jnp.where(tid == t, f32(1.0), f32(0.0)))
        counts = counts + jnp.where(lane8 == t, cnt, f32(0.0))
    load_ref[...] = lax.dot_general(counts, g8t, dn_t,
                                    preferred_element_type=f32,
                         precision=lax.Precision.HIGHEST)


def _gate_table(tid2d, emb, wq, wk, ek, wg):
    return pl.pallas_call(
        _gate_table_body,
        out_shape=(
            jax.ShapeDtypeStruct((1, 16), jnp.int32),
            jax.ShapeDtypeStruct((1, 16), jnp.float32),
            jax.ShapeDtypeStruct((1, NEXP), jnp.float32),
        ),
    )(tid2d, emb, wq, wk, ek, wg)


def _sc_scatter_body(itab_hbm, vtab_hbm, idx_hbm, out_hbm,
                     st, itab, vtab, idx_v, sem):
    wid = lax.axis_index("s") * NC + lax.axis_index("c")
    in_copies = [
        pltpu.async_copy(itab_hbm, itab, sem),
        pltpu.async_copy(vtab_hbm, vtab, sem),
        pltpu.async_copy(idx_hbm.at[pl.ds(wid * B_PER_W, B_PER_W)], idx_v,
                         sem),
    ]
    lane = lax.broadcasted_iota(jnp.int32, (16,), 0)
    zero16 = jnp.zeros((16,), jnp.float32)
    zrow = jnp.zeros((16,), jnp.int32)
    eight = jnp.full((16,), 8, jnp.int32)

    @plsc.parallel_loop(0, B_PER_W * NEXP, step=256, unroll=2)
    def _zero(off):
        for c in range(16):
            st[pl.ds(off + c * 16, 16)] = zero16

    for c in in_copies:
        c.wait()

    @plsc.parallel_loop(0, B_PER_W, step=16, unroll=1)
    def _chunk(tok):
        t16 = idx_v[pl.ds(tok, 16)]
        tokv = tok + lane
        pos = (tok >> 7) * 1024 + ((tokv) & 127)
        i1 = plsc.load_gather(itab, [zrow, t16])
        g1 = plsc.load_gather(vtab, [zrow, t16])
        i2 = plsc.load_gather(itab, [zrow, t16 + eight])
        g2 = plsc.load_gather(vtab, [zrow, t16 + eight])
        a1 = ((i1 >> 3) << 12) + ((i1 & 7) << 7) + pos
        a2 = ((i2 >> 3) << 12) + ((i2 & 7) << 7) + pos
        plsc.store_scatter(st, [a1], g1)
        plsc.store_scatter(st, [a2], g2)

    copies = [
        pltpu.async_copy(
            st.at[pl.ds(jt * 4096, 4096)],
            out_hbm.at[pl.ds(jt * (B * 8) + wid * 4096, 4096)],
            sem)
        for jt in range(8)
    ]
    for c in copies:
        c.wait()


def _sc_scatter(itab16, vtab16, tid_flat):
    return pl.kernel(
        _sc_scatter_body,
        out_type=jax.ShapeDtypeStruct((B * NEXP,), jnp.float32),
        mesh=plsc.VectorSubcoreMesh(core_axis_name="c", subcore_axis_name="s"),
        scratch_types=[
            pltpu.VMEM((B_PER_W * NEXP,), jnp.float32),
            pltpu.VMEM((1, 16), jnp.int32),
            pltpu.VMEM((1, 16), jnp.float32),
            pltpu.VMEM((B_PER_W,), jnp.int32),
            pltpu.SemaphoreType.DMA,
        ],
        compiler_params=pltpu.CompilerParams(use_tc_tiling_on_sc=False,
                                             needs_layout_passes=False,
                                             disable_bounds_checks=True,
                                             disable_semaphore_checks=True),
    )(itab16, vtab16, tid_flat)


def kernel(taskID, emb_table, Wq, Wk, Wv, bq, bk, bv, Wout, bout,
           expert_keys, W_gate, b_gate, W_noise, b_noise, train):
    tid = taskID.astype(jnp.int32)
    itab16, vtab16, load = _gate_table(
        tid.reshape(128, 128), emb_table, Wq, Wk, expert_keys, W_gate.T)
    flat = _sc_scatter(itab16, vtab16, tid)
    gates = (flat.reshape(8, 128, 8, 128)
             .transpose(1, 3, 0, 2)
             .reshape(B, NEXP))
    return gates, load.reshape(NEXP)

# --- scband reference (transcript-rebuilt; emitter-appended) ---
"""Pipeline reference for scband-mo-egate-task-85718957294270 (READ-ONLY COPY).

The authoritative reference and input builder live on the scoring server;
editing this copy changes nothing except your own understanding.
"""

import jax, jax.numpy as jnp
import numpy as np

B = 16384
EMBED = 32
HEADS = 4
NEXP = 64
TOPK = 2
NOISE_EPS = 0.01


def setup_inputs(seed: int = 0):
    key = jax.random.key(seed)
    ks = jax.random.split(key, 16)
    s = 1.0 / float(np.sqrt(EMBED))
    return {
        "taskID": jax.random.randint(ks[0], (B,), 0, 6),
        "emb_table": jax.random.normal(ks[1], (6, EMBED), dtype=jnp.float32),
        "Wq": jax.random.uniform(ks[2], (EMBED, EMBED), minval=-s, maxval=s, dtype=jnp.float32),
        "Wk": jax.random.uniform(ks[3], (EMBED, EMBED), minval=-s, maxval=s, dtype=jnp.float32),
        "Wv": jax.random.uniform(ks[4], (EMBED, EMBED), minval=-s, maxval=s, dtype=jnp.float32),
        "bq": jnp.zeros((EMBED,), dtype=jnp.float32),
        "bk": jnp.zeros((EMBED,), dtype=jnp.float32),
        "bv": jnp.zeros((EMBED,), dtype=jnp.float32),
        "Wout": jax.random.uniform(ks[5], (EMBED, EMBED), minval=-s, maxval=s, dtype=jnp.float32),
        "bout": jnp.zeros((EMBED,), dtype=jnp.float32),
        "expert_keys": jax.random.normal(ks[6], (EMBED, EMBED), dtype=jnp.float32),
        "W_gate": jax.random.uniform(ks[7], (NEXP, EMBED), minval=-s, maxval=s, dtype=jnp.float32),
        "b_gate": jnp.zeros((NEXP,), dtype=jnp.float32),
        "W_noise": jax.random.uniform(ks[8], (NEXP, EMBED), minval=-s, maxval=s, dtype=jnp.float32),
        "b_noise": jnp.zeros((NEXP,), dtype=jnp.float32),
        "train": 0,
    }


def reference(taskID, emb_table, Wq, Wk, Wv, bq, bk, bv, Wout, bout, expert_keys, W_gate, b_gate, W_noise, b_noise, train):
    N = taskID.shape[0]
    E = emb_table.shape[1]
    H = HEADS
    d_h = E // H
    # embedding lookup
    task_embed = jnp.take(emb_table, taskID, axis=0)  # (N, E)
    q = task_embed[None, :, :]  # (L=1, N, E)
    k = jnp.broadcast_to(expert_keys[:, None, :], (E, N, E))  # (S=E, N, E)
    Q = q @ Wq.T + bq
    K = k @ Wk.T + bk
    V = k @ Wv.T + bv
    L, S = 1, E
    Qh = Q.reshape(L, N, H, d_h).transpose(1, 2, 0, 3)  # (N,H,L,d_h)
    Kh = K.reshape(S, N, H, d_h).transpose(1, 2, 0, 3)  # (N,H,S,d_h)
    Vh = V.reshape(S, N, H, d_h).transpose(1, 2, 0, 3)
    scores = jnp.einsum('nhld,nhsd->nhls', Qh, Kh) / float(np.sqrt(d_h))
    attn = jax.nn.softmax(scores, axis=-1)  # (N,H,L,S)
    attn_out = jnp.einsum('nhls,nhsd->nhld', attn, Vh)
    attn_out = attn_out.transpose(2, 0, 1, 3).reshape(L, N, E)
    attn_out = attn_out @ Wout.T + bout  # computed but unused downstream (faithful to torch)
    attn_weights = attn.mean(axis=1)  # (N, L, S) -- torch MHA averages over heads
    expert_weight = jax.nn.softmax(attn_weights, axis=-1)[:, 0, :]  # (N, E)
    clean_logits = expert_weight @ W_gate.T + b_gate  # (N, NEXP)
    raw = expert_weight @ W_noise.T + b_noise
    std = jax.nn.softplus(raw) + NOISE_EPS
    noise = jax.random.normal(jax.random.key(1234), clean_logits.shape, dtype=clean_logits.dtype)
    noisy_logits = clean_logits + noise * std
    logits = jnp.where(train != 0, noisy_logits, clean_logits)
    kk = min(TOPK + 1, NEXP)
    top_logits, top_idx = jax.lax.top_k(logits, kk)
    tk_logits = top_logits[:, :TOPK]
    tk_idx = top_idx[:, :TOPK]
    tk_gates = jax.nn.softmax(tk_logits, axis=1)
    gates = jnp.zeros_like(logits).at[jnp.arange(N)[:, None], tk_idx].set(tk_gates)
    load = gates.sum(axis=0)
    return (gates, load)

if __name__ == "__main__":
    import jax
    _d = setup_inputs()
    print(jax.jit(kernel)(*tuple(_d.values())))

</pallas_src>

<mosaic_0001>
#map = affine_map<(d0, d1) -> (0, 0)>
#map1 = affine_map<(d0, d1) -> (0)>
module attributes {stable_mosaic.version = 14 : i64} {
  func.func @_sc_scatter_body(%arg0: i32, %arg1: i32, %arg2: memref<1x16xi32, #tpu.memory_space<hbm>>, %arg3: memref<1x16xf32, #tpu.memory_space<hbm>>, %arg4: memref<16384xi32, #tpu.memory_space<hbm>>, %arg5: memref<1048576xf32, #tpu.memory_space<hbm>>, %arg6: memref<32768xf32, #tpu.memory_space<vmem>>, %arg7: memref<1x16xi32, #tpu.memory_space<vmem>>, %arg8: memref<1x16xf32, #tpu.memory_space<vmem>>, %arg9: memref<512xi32, #tpu.memory_space<vmem>>, %arg10: memref<!tpu.dma_semaphore, #tpu.memory_space<semaphore_mem>>) attributes {dimension_semantics = [#tpu.dimension_semantics<core_parallel>, #tpu.dimension_semantics<subcore_parallel>], iteration_bounds = array<i64: 2, 16>, scalar_prefetch = 0 : i64, scratch_operands = 5 : i64, tpu.core_type = #tpu.core_type<sc_vector_subcore>, window_params = [{transform_indices = #map}, {transform_indices = #map}, {transform_indices = #map1}, {transform_indices = #map1}]} {
    %mul3A = arith.constant 2 : i32
    %mul3A_0 = arith.muli %arg1, %mul3A : i32
    %add3A = arith.addi %mul3A_0, %arg0 : i32
    tpu.enqueue_dma source(%arg2 : memref<1x16xi32, #tpu.memory_space<hbm>>) target(%arg7 : memref<1x16xi32, #tpu.memory_space<vmem>>) target_semaphore(%arg10 : memref<!tpu.dma_semaphore, #tpu.memory_space<semaphore_mem>>)
    tpu.enqueue_dma source(%arg3 : memref<1x16xf32, #tpu.memory_space<hbm>>) target(%arg8 : memref<1x16xf32, #tpu.memory_space<vmem>>) target_semaphore(%arg10 : memref<!tpu.dma_semaphore, #tpu.memory_space<semaphore_mem>>)
    %mul3A_1 = arith.constant 512 : i32
    %mul3A_2 = arith.muli %add3A, %mul3A_1 : i32
    %dma_start3A = tpu.memref_slice %arg4[%mul3A_2] : memref<16384xi32, #tpu.memory_space<hbm>> -> memref<512xi32, #tpu.memory_space<hbm>>
    %dma_start3A_3 = tpu.memref_slice %arg4[%mul3A_2] : memref<16384xi32, #tpu.memory_space<hbm>> -> memref<512xi32, #tpu.memory_space<hbm>>
    tpu.enqueue_dma source(%dma_start3A_3 : memref<512xi32, #tpu.memory_space<hbm>>) target(%arg9 : memref<512xi32, #tpu.memory_space<vmem>>) target_semaphore(%arg10 : memref<!tpu.dma_semaphore, #tpu.memory_space<semaphore_mem>>)
    %iota3A = tpu.iota {dimensions = array<i32: 0>} : vector<16xi32>
    %broadcast_in_dim3A = arith.constant 0.000000e+00 : f32
    %broadcast_in_dim3A_4 = vector.broadcast %broadcast_in_dim3A : f32 to vector<16xf32>
    %broadcast_in_dim3A_5 = arith.constant 0 : i32
    %broadcast_in_dim3A_6 = vector.broadcast %broadcast_in_dim3A_5 : i32 to vector<16xi32>
    %broadcast_in_dim3A_7 = arith.constant 8 : i32
    %broadcast_in_dim3A_8 = vector.broadcast %broadcast_in_dim3A_7 : i32 to vector<16xi32>
    %parallel_loop3A = arith.constant 0 : i32
    %parallel_loop3A_9 = arith.constant 32768 : i32
    %parallel_loop3A_10 = arith.constant 256 : i32
    scf.for %parallel_loop3A_143 = %parallel_loop3A to %parallel_loop3A_9 step %parallel_loop3A_10  : i32 {
      %parallel_loop3A_144 = arith.constant 0 : i32
      %parallel_loop3A_145 = arith.addi %parallel_loop3A_143, %parallel_loop3A_144 : i32
      %parallel_loop3A_146 = arith.index_cast %parallel_loop3A_145 : i32 to index
      %parallel_loop3A_147 = tpu.vector_load %arg6[%parallel_loop3A_146] {strides = array<i32>} : memref<32768xf32, #tpu.memory_space<vmem>>, vector<16xf32>,
      tpu.vector_store %arg6[%parallel_loop3A_146], %broadcast_in_dim3A_4 {strides = array<i32>} : memref<32768xf32, #tpu.memory_space<vmem>>, vector<16xf32>,
      %parallel_loop3A_148 = arith.constant 16 : i32
      %parallel_loop3A_149 = arith.addi %parallel_loop3A_143, %parallel_loop3A_148 : i32
      %parallel_loop3A_150 = arith.index_cast %parallel_loop3A_149 : i32 to index
      %parallel_loop3A_151 = tpu.vector_load %arg6[%parallel_loop3A_150] {strides = array<i32>} : memref<32768xf32, #tpu.memory_space<vmem>>, vector<16xf32>,
      tpu.vector_store %arg6[%parallel_loop3A_150], %broadcast_in_dim3A_4 {strides = array<i32>} : memref<32768xf32, #tpu.memory_space<vmem>>, vector<16xf32>,
      %parallel_loop3A_152 = arith.constant 32 : i32
      %parallel_loop3A_153 = arith.addi %parallel_loop3A_143, %parallel_loop3A_152 : i32
      %parallel_loop3A_154 = arith.index_cast %parallel_loop3A_153 : i32 to index
      %parallel_loop3A_155 = tpu.vector_load %arg6[%parallel_loop3A_154] {strides = array<i32>} : memref<32768xf32, #tpu.memory_space<vmem>>, vector<16xf32>,
      tpu.vector_store %arg6[%parallel_loop3A_154], %broadcast_in_dim3A_4 {strides = array<i32>} : memref<32768xf32, #tpu.memory_space<vmem>>, vector<16xf32>,
      %parallel_loop3A_156 = arith.constant 48 : i32
      %parallel_loop3A_157 = arith.addi %parallel_loop3A_143, %parallel_loop3A_156 : i32
      %parallel_loop3A_158 = arith.index_cast %parallel_loop3A_157 : i32 to index
      %parallel_loop3A_159 = tpu.vector_load %arg6[%parallel_loop3A_158] {strides = array<i32>} : memref<32768xf32, #tpu.memory_space<vmem>>, vector<16xf32>,
      tpu.vector_store %arg6[%parallel_loop3A_158], %broadcast_in_dim3A_4 {strides = array<i32>} : memref<32768xf32, #tpu.memory_space<vmem>>, vector<16xf32>,
      %parallel_loop3A_160 = arith.constant 64 : i32
      %parallel_loop3A_161 = arith.addi %parallel_loop3A_143, %parallel_loop3A_160 : i32
      %parallel_loop3A_162 = arith.index_cast %parallel_loop3A_161 : i32 to index
      %parallel_loop3A_163 = tpu.vector_load %arg6[%parallel_loop3A_162] {strides = array<i32>} : memref<32768xf32, #tpu.memory_space<vmem>>, vector<16xf32>,
      tpu.vector_store %arg6[%parallel_loop3A_162], %broadcast_in_dim3A_4 {strides = array<i32>} : memref<32768xf32, #tpu.memory_space<vmem>>, vector<16xf32>,
      %parallel_loop3A_164 = arith.constant 80 : i32
      %parallel_loop3A_165 = arith.addi %parallel_loop3A_143, %parallel_loop3A_164 : i32
      %parallel_loop3A_166 = arith.index_cast %parallel_loop3A_165 : i32 to index
      %parallel_loop3A_167 = tpu.vector_load %arg6[%parallel_loop3A_166] {strides = array<i32>} : memref<32768xf32, #tpu.memory_space<vmem>>, vector<16xf32>,
      tpu.vector_store %arg6[%parallel_loop3A_166], %broadcast_in_dim3A_4 {strides = array<i32>} : memref<32768xf32, #tpu.memory_space<vmem>>, vector<16xf32>,
      %parallel_loop3A_168 = arith.constant 96 : i32
      %parallel_loop3A_169 = arith.addi %parallel_loop3A_143, %parallel_loop3A_168 : i32
      %parallel_loop3A_170 = arith.index_cast %parallel_loop3A_169 : i32 to index
      %parallel_loop3A_171 = tpu.vector_load %arg6[%parallel_loop3A_170] {strides = array<i32>} : memref<32768xf32, #tpu.memory_space<vmem>>, vector<16xf32>,
      tpu.vector_store %arg6[%parallel_loop3A_170], %broadcast_in_dim3A_4 {strides = array<i32>} : memref<32768xf32, #tpu.memory_space<vmem>>, vector<16xf32>,
      %parallel_loop3A_172 = arith.constant 112 : i32
      %parallel_loop3A_173 = arith.addi %parallel_loop3A_143, %parallel_loop3A_172 : i32
      %parallel_loop3A_174 = arith.index_cast %parallel_loop3A_173 : i32 to index
      %parallel_loop3A_175 = tpu.vector_load %arg6[%parallel_loop3A_174] {strides = array<i32>} : memref<32768xf32, #tpu.memory_space<vmem>>, vector<16xf32>,
      tpu.vector_store %arg6[%parallel_loop3A_174], %broadcast_in_dim3A_4 {strides = array<i32>} : memref<32768xf32, #tpu.memory_space<vmem>>, vector<16xf32>,
      %parallel_loop3A_176 = arith.constant 128 : i32
      %parallel_loop3A_177 = arith.addi %parallel_loop3A_143, %parallel_loop3A_176 : i32
      %parallel_loop3A_178 = arith.index_cast %parallel_loop3A_177 : i32 to index
      %parallel_loop3A_179 = tpu.vector_load %arg6[%parallel_loop3A_178] {strides = array<i32>} : memref<32768xf32, #tpu.memory_space<vmem>>, vector<16xf32>,
      tpu.vector_store %arg6[%parallel_loop3A_178], %broadcast_in_dim3A_4 {strides = array<i32>} : memref<32768xf32, #tpu.memory_space<vmem>>, vector<16xf32>,
      %parallel_loop3A_180 = arith.constant 144 : i32
      %parallel_loop3A_181 = arith.addi %parallel_loop3A_143, %parallel_loop3A_180 : i32
      %parallel_loop3A_182 = arith.index_cast %parallel_loop3A_181 : i32 to index
      %parallel_loop3A_183 = tpu.vector_load %arg6[%parallel_loop3A_182] {strides = array<i32>} : memref<32768xf32, #tpu.memory_space<vmem>>, vector<16xf32>,
      tpu.vector_store %arg6[%parallel_loop3A_182], %broadcast_in_dim3A_4 {strides = array<i32>} : memref<32768xf32, #tpu.memory_space<vmem>>, vector<16xf32>,
      %parallel_loop3A_184 = arith.constant 160 : i32
      %parallel_loop3A_185 = arith.addi %parallel_loop3A_143, %parallel_loop3A_184 : i32
      %parallel_loop3A_186 = arith.index_cast %parallel_loop3A_185 : i32 to index
      %parallel_loop3A_187 = tpu.vector_load %arg6[%parallel_loop3A_186] {strides = array<i32>} : memref<32768xf32, #tpu.memory_space<vmem>>, vector<16xf32>,
      tpu.vector_store %arg6[%parallel_loop3A_186], %broadcast_in_dim3A_4 {strides = array<i32>} : memref<32768xf32, #tpu.memory_space<vmem>>, vector<16xf32>,
      %parallel_loop3A_188 = arith.constant 176 : i32
      %parallel_loop3A_189 = arith.addi %parallel_loop3A_143, %parallel_loop3A_188 : i32
      %parallel_loop3A_190 = arith.index_cast %parallel_loop3A_189 : i32 to index
      %parallel_loop3A_191 = tpu.vector_load %arg6[%parallel_loop3A_190] {strides = array<i32>} : memref<32768xf32, #tpu.memory_space<vmem>>, vector<16xf32>,
      tpu.vector_store %arg6[%parallel_loop3A_190], %broadcast_in_dim3A_4 {strides = array<i32>} : memref<32768xf32, #tpu.memory_space<vmem>>, vector<16xf32>,
      %parallel_loop3A_192 = arith.constant 192 : i32
      %parallel_loop3A_193 = arith.addi %parallel_loop3A_143, %parallel_loop3A_192 : i32
      %parallel_loop3A_194 = arith.index_cast %parallel_loop3A_193 : i32 to index
      %parallel_loop3A_195 = tpu.vector_load %arg6[%parallel_loop3A_194] {strides = array<i32>} : memref<32768xf32, #tpu.memory_space<vmem>>, vector<16xf32>,
      tpu.vector_store %arg6[%parallel_loop3A_194], %broadcast_in_dim3A_4 {strides = array<i32>} : memref<32768xf32, #tpu.memory_space<vmem>>, vector<16xf32>,
      %parallel_loop3A_196 = arith.constant 208 : i32
      %parallel_loop3A_197 = arith.addi %parallel_loop3A_143, %parallel_loop3A_196 : i32
      %parallel_loop3A_198 = arith.index_cast %parallel_loop3A_197 : i32 to index
      %parallel_loop3A_199 = tpu.vector_load %arg6[%parallel_loop3A_198] {strides = array<i32>} : memref<32768xf32, #tpu.memory_space<vmem>>, vector<16xf32>,
      tpu.vector_store %arg6[%parallel_loop3A_198], %broadcast_in_dim3A_4 {strides = array<i32>} : memref<32768xf32, #tpu.memory_space<vmem>>, vector<16xf32>,
      %parallel_loop3A_200 = arith.constant 224 : i32
      %parallel_loop3A_201 = arith.addi %parallel_loop3A_143, %parallel_loop3A_200 : i32
      %parallel_loop3A_202 = arith.index_cast %parallel_loop3A_201 : i32 to index
      %parallel_loop3A_203 = tpu.vector_load %arg6[%parallel_loop3A_202] {strides = array<i32>} : memref<32768xf32, #tpu.memory_space<vmem>>, vector<16xf32>,
      tpu.vector_store %arg6[%parallel_loop3A_202], %broadcast_in_dim3A_4 {strides = array<i32>} : memref<32768xf32, #tpu.memory_space<vmem>>, vector<16xf32>,
      %parallel_loop3A_204 = arith.constant 240 : i32
      %parallel_loop3A_205 = arith.addi %parallel_loop3A_143, %parallel_loop3A_204 : i32
      %parallel_loop3A_206 = arith.index_cast %parallel_loop3A_205 : i32 to index
      %parallel_loop3A_207 = tpu.vector_load %arg6[%parallel_loop3A_206] {strides = array<i32>} : memref<32768xf32, #tpu.memory_space<vmem>>, vector<16xf32>,
      tpu.vector_store %arg6[%parallel_loop3A_206], %broadcast_in_dim3A_4 {strides = array<i32>} : memref<32768xf32, #tpu.memory_space<vmem>>, vector<16xf32>,
    } {sc.loop_unroll_factor = 2 : i64, sc.parallel_access}
    tpu.wait_dma2 semaphore(%arg10 : memref<!tpu.dma_semaphore, #tpu.memory_space<semaphore_mem>>) src(%arg2 : memref<1x16xi32, #tpu.memory_space<hbm>>) dst(%arg7 : memref<1x16xi32, #tpu.memory_space<vmem>>)
    tpu.wait_dma2 semaphore(%arg10 : memref<!tpu.dma_semaphore, #tpu.memory_space<semaphore_mem>>) src(%arg3 : memref<1x16xf32, #tpu.memory_space<hbm>>) dst(%arg8 : memref<1x16xf32, #tpu.memory_space<vmem>>)
    %dma_wait3A = tpu.memref_slice %arg4[%mul3A_2] : memref<16384xi32, #tpu.memory_space<hbm>> -> memref<512xi32, #tpu.memory_space<hbm>>
    %dma_wait3A_11 = tpu.memref_slice %arg4[%mul3A_2] : memref<16384xi32, #tpu.memory_space<hbm>> -> memref<512xi32, #tpu.memory_space<hbm>>
    tpu.wait_dma2 semaphore(%arg10 : memref<!tpu.dma_semaphore, #tpu.memory_space<semaphore_mem>>) src(%dma_wait3A_11 : memref<512xi32, #tpu.memory_space<hbm>>) dst(%arg9 : memref<512xi32, #tpu.memory_space<vmem>>)
    %parallel_loop3A_12 = arith.constant 0 : i32
    %parallel_loop3A_13 = arith.constant 512 : i32
    %parallel_loop3A_14 = arith.constant 16 : i32
    scf.for %parallel_loop3A_143 = %parallel_loop3A_12 to %parallel_loop3A_13 step %parallel_loop3A_14  : i32 {
      %parallel_loop3A_144 = arith.index_cast %parallel_loop3A_143 : i32 to index
      %parallel_loop3A_145 = tpu.vector_load %arg9[%parallel_loop3A_144] {strides = array<i32>} : memref<512xi32, #tpu.memory_space<vmem>>, vector<16xi32>,
      %parallel_loop3A_146 = vector.broadcast %parallel_loop3A_143 : i32 to vector<16xi32>
      %parallel_loop3A_147 = arith.addi %parallel_loop3A_146, %iota3A : vector<16xi32>
      %parallel_loop3A_148 = arith.constant 7 : i32
      %parallel_loop3A_149 = arith.shrsi %parallel_loop3A_143, %parallel_loop3A_148 : i32
      %parallel_loop3A_150 = arith.constant 1024 : i32
      %parallel_loop3A_151 = arith.muli %parallel_loop3A_149, %parallel_loop3A_150 : i32
      %parallel_loop3A_152 = arith.constant 127 : i32
      %parallel_loop3A_153 = vector.broadcast %parallel_loop3A_152 : i32 to vector<16xi32>
      %parallel_loop3A_154 = arith.andi %parallel_loop3A_147, %parallel_loop3A_153 : vector<16xi32>
      %parallel_loop3A_155 = vector.broadcast %parallel_loop3A_151 : i32 to vector<16xi32>
      %parallel_loop3A_156 = arith.addi %parallel_loop3A_155, %parallel_loop3A_154 : vector<16xi32>
      %parallel_loop3A_157 = tpu.vector_load_idx %arg7[%broadcast_in_dim3A_6, %parallel_loop3A_145] : memref<1x16xi32, #tpu.memory_space<vmem>>[vector<16xi32>, vector<16xi32>], vector<16xi32>,
      %parallel_loop3A_158 = tpu.vector_load_idx %arg8[%broadcast_in_dim3A_6, %parallel_loop3A_145] : memref<1x16xf32, #tpu.memory_space<vmem>>[vector<16xi32>, vector<16xi32>], vector<16xf32>,
      %parallel_loop3A_159 = arith.addi %parallel_loop3A_145, %broadcast_in_dim3A_8 : vector<16xi32>
      %parallel_loop3A_160 = tpu.vector_load_idx %arg7[%broadcast_in_dim3A_6, %parallel_loop3A_159] : memref<1x16xi32, #tpu.memory_space<vmem>>[vector<16xi32>, vector<16xi32>], vector<16xi32>,
      %parallel_loop3A_161 = arith.addi %parallel_loop3A_145, %broadcast_in_dim3A_8 : vector<16xi32>
      %parallel_loop3A_162 = tpu.vector_load_idx %arg8[%broadcast_in_dim3A_6, %parallel_loop3A_161] : memref<1x16xf32, #tpu.memory_space<vmem>>[vector<16xi32>, vector<16xi32>], vector<16xf32>,
      %parallel_loop3A_163 = arith.constant 3 : i32
      %parallel_loop3A_164 = vector.broadcast %parallel_loop3A_163 : i32 to vector<16xi32>
      %parallel_loop3A_165 = arith.shrsi %parallel_loop3A_157, %parallel_loop3A_164 : vector<16xi32>
      %parallel_loop3A_166 = arith.constant 12 : i32
      %parallel_loop3A_167 = vector.broadcast %parallel_loop3A_166 : i32 to vector<16xi32>
      %parallel_loop3A_168 = arith.shli %parallel_loop3A_165, %parallel_loop3A_167 : vector<16xi32>
      %parallel_loop3A_169 = arith.constant 7 : i32
      %parallel_loop3A_170 = vector.broadcast %parallel_loop3A_169 : i32 to vector<16xi32>
      %parallel_loop3A_171 = arith.andi %parallel_loop3A_157, %parallel_loop3A_170 : vector<16xi32>
      %parallel_loop3A_172 = arith.constant 7 : i32
      %parallel_loop3A_173 = vector.broadcast %parallel_loop3A_172 : i32 to vector<16xi32>
      %parallel_loop3A_174 = arith.shli %parallel_loop3A_171, %parallel_loop3A_173 : vector<16xi32>
      %parallel_loop3A_175 = arith.addi %parallel_loop3A_168, %parallel_loop3A_174 : vector<16xi32>
      %parallel_loop3A_176 = arith.addi %parallel_loop3A_175, %parallel_loop3A_156 : vector<16xi32>
      %parallel_loop3A_177 = arith.constant 3 : i32
      %parallel_loop3A_178 = vector.broadcast %parallel_loop3A_177 : i32 to vector<16xi32>
      %parallel_loop3A_179 = arith.shrsi %parallel_loop3A_160, %parallel_loop3A_178 : vector<16xi32>
      %parallel_loop3A_180 = arith.constant 12 : i32
      %parallel_loop3A_181 = vector.broadcast %parallel_loop3A_180 : i32 to vector<16xi32>
      %parallel_loop3A_182 = arith.shli %parallel_loop3A_179, %parallel_loop3A_181 : vector<16xi32>
      %parallel_loop3A_183 = arith.constant 7 : i32
      %parallel_loop3A_184 = vector.broadcast %parallel_loop3A_183 : i32 to vector<16xi32>
      %parallel_loop3A_185 = arith.andi %parallel_loop3A_160, %parallel_loop3A_184 : vector<16xi32>
      %parallel_loop3A_186 = arith.constant 7 : i32
      %parallel_loop3A_187 = vector.broadcast %parallel_loop3A_186 : i32 to vector<16xi32>
      %parallel_loop3A_188 = arith.shli %parallel_loop3A_185, %parallel_loop3A_187 : vector<16xi32>
      %parallel_loop3A_189 = arith.addi %parallel_loop3A_182, %parallel_loop3A_188 : vector<16xi32>
      %parallel_loop3A_190 = arith.addi %parallel_loop3A_189, %parallel_loop3A_156 : vector<16xi32>
      tpu.vector_store_idx %arg6[%parallel_loop3A_176], %parallel_loop3A_158 : memref<32768xf32, #tpu.memory_space<vmem>>[vector<16xi32>], vector<16xf32>,
      tpu.vector_store_idx %arg6[%parallel_loop3A_190], %parallel_loop3A_162 : memref<32768xf32, #tpu.memory_space<vmem>>[vector<16xi32>], vector<16xf32>,
    } {sc.loop_unroll_factor = 1 : i64, sc.parallel_access}
    %mul3A_15 = arith.constant 4096 : i32
    %mul3A_16 = arith.muli %add3A, %mul3A_15 : i32
    %add3A_17 = arith.constant 0 : i32
    %add3A_18 = arith.addi %add3A_17, %mul3A_16 : i32
    %dma_start3A_19 = arith.constant 0 : i32
    %dma_start3A_20 = tpu.memref_slice %arg6[%dma_start3A_19] : memref<32768xf32, #tpu.memory_space<vmem>> -> memref<4096xf32, #tpu.memory_space<vmem>>
    %dma_start3A_21 = tpu.memref_slice %arg5[%add3A_18] : memref<1048576xf32, #tpu.memory_space<hbm>> -> memref<4096xf32, #tpu.memory_space<hbm>>
    %dma_start3A_22 = tpu.memref_slice %arg5[%add3A_18] : memref<1048576xf32, #tpu.memory_space<hbm>> -> memref<4096xf32, #tpu.memory_space<hbm>>
    %dma_start3A_23 = arith.constant 0 : i32
    %dma_start3A_24 = tpu.memref_slice %arg6[%dma_start3A_23] : memref<32768xf32, #tpu.memory_space<vmem>> -> memref<4096xf32, #tpu.memory_space<vmem>>
    tpu.enqueue_dma source(%dma_start3A_24 : memref<4096xf32, #tpu.memory_space<vmem>>) target(%dma_start3A_22 : memref<4096xf32, #tpu.memory_space<hbm>>) target_semaphore(%arg10 : memref<!tpu.dma_semaphore, #tpu.memory_space<semaphore_mem>>)
    %mul3A_25 = arith.constant 4096 : i32
    %mul3A_26 = arith.muli %add3A, %mul3A_25 : i32
    %add3A_27 = arith.constant 131072 : i32
    %add3A_28 = arith.addi %add3A_27, %mul3A_26 : i32
    %dma_start3A_29 = arith.constant 4096 : i32
    %dma_start3A_30 = tpu.memref_slice %arg6[%dma_start3A_29] : memref<32768xf32, #tpu.memory_space<vmem>> -> memref<4096xf32, #tpu.memory_space<vmem>>
    %dma_start3A_31 = tpu.memref_slice %arg5[%add3A_28] : memref<1048576xf32, #tpu.memory_space<hbm>> -> memref<4096xf32, #tpu.memory_space<hbm>>
    %dma_start3A_32 = tpu.memref_slice %arg5[%add3A_28] : memref<1048576xf32, #tpu.memory_space<hbm>> -> memref<4096xf32, #tpu.memory_space<hbm>>
    %dma_start3A_33 = arith.constant 4096 : i32
    %dma_start3A_34 = tpu.memref_slice %arg6[%dma_start3A_33] : memref<32768xf32, #tpu.memory_space<vmem>> -> memref<4096xf32, #tpu.memory_space<vmem>>
    tpu.enqueue_dma source(%dma_start3A_34 : memref<4096xf32, #tpu.memory_space<vmem>>) target(%dma_start3A_32 : memref<4096xf32, #tpu.memory_space<hbm>>) target_semaphore(%arg10 : memref<!tpu.dma_semaphore, #tpu.memory_space<semaphore_mem>>)
    %mul3A_35 = arith.constant 4096 : i32
    %mul3A_36 = arith.muli %add3A, %mul3A_35 : i32
    %add3A_37 = arith.constant 262144 : i32
    %add3A_38 = arith.addi %add3A_37, %mul3A_36 : i32
    %dma_start3A_39 = arith.constant 8192 : i32
    %dma_start3A_40 = tpu.memref_slice %arg6[%dma_start3A_39] : memref<32768xf32, #tpu.memory_space<vmem>> -> memref<4096xf32, #tpu.memory_space<vmem>>
    %dma_start3A_41 = tpu.memref_slice %arg5[%add3A_38] : memref<1048576xf32, #tpu.memory_space<hbm>> -> memref<4096xf32, #tpu.memory_space<hbm>>
    %dma_start3A_42 = tpu.memref_slice %arg5[%add3A_38] : memref<1048576xf32, #tpu.memory_space<hbm>> -> memref<4096xf32, #tpu.memory_space<hbm>>
    %dma_start3A_43 = arith.constant 8192 : i32
    %dma_start3A_44 = tpu.memref_slice %arg6[%dma_start3A_43] : memref<32768xf32, #tpu.memory_space<vmem>> -> memref<4096xf32, #tpu.memory_space<vmem>>
    tpu.enqueue_dma source(%dma_start3A_44 : memref<4096xf32, #tpu.memory_space<vmem>>) target(%dma_start3A_42 : memref<4096xf32, #tpu.memory_space<hbm>>) target_semaphore(%arg10 : memref<!tpu.dma_semaphore, #tpu.memory_space<semaphore_mem>>)
    %mul3A_45 = arith.constant 4096 : i32
    %mul3A_46 = arith.muli %add3A, %mul3A_45 : i32
    %add3A_47 = arith.constant 393216 : i32
    %add3A_48 = arith.addi %add3A_47, %mul3A_46 : i32
    %dma_start3A_49 = arith.constant 12288 : i32
    %dma_start3A_50 = tpu.memref_slice %arg6[%dma_start3A_49] : memref<32768xf32, #tpu.memory_space<vmem>> -> memref<4096xf32, #tpu.memory_space<vmem>>
    %dma_start3A_51 = tpu.memref_slice %arg5[%add3A_48] : memref<1048576xf32, #tpu.memory_space<hbm>> -> memref<4096xf32, #tpu.memory_space<hbm>>
    %dma_start3A_52 = tpu.memref_slice %arg5[%add3A_48] : memref<1048576xf32, #tpu.memory_space<hbm>> -> memref<4096xf32, #tpu.memory_space<hbm>>
    %dma_start3A_53 = arith.constant 12288 : i32
    %dma_start3A_54 = tpu.memref_slice %arg6[%dma_start3A_53] : memref<32768xf32, #tpu.memory_space<vmem>> -> memref<4096xf32, #tpu.memory_space<vmem>>
    tpu.enqueue_dma source(%dma_start3A_54 : memref<4096xf32, #tpu.memory_space<vmem>>) target(%dma_start3A_52 : memref<4096xf32, #tpu.memory_space<hbm>>) target_semaphore(%arg10 : memref<!tpu.dma_semaphore, #tpu.memory_space<semaphore_mem>>)
    %mul3A_55 = arith.constant 4096 : i32
    %mul3A_56 = arith.muli %add3A, %mul3A_55 : i32
    %add3A_57 = arith.constant 524288 : i32
    %add3A_58 = arith.addi %add3A_57, %mul3A_56 : i32
    %dma_start3A_59 = arith.constant 16384 : i32
    %dma_start3A_60 = tpu.memref_slice %arg6[%dma_start3A_59] : memref<32768xf32, #tpu.memory_space<vmem>> -> memref<4096xf32, #tpu.memory_space<vmem>>
    %dma_start3A_61 = tpu.memref_slice %arg5[%add3A_58] : memref<1048576xf32, #tpu.memory_space<hbm>> -> memref<4096xf32, #tpu.memory_space<hbm>>
    %dma_start3A_62 = tpu.memref_slice %arg5[%add3A_58] : memref<1048576xf32, #tpu.memory_space<hbm>> -> memref<4096xf32, #tpu.memory_space<hbm>>
    %dma_start3A_63 = arith.constant 16384 : i32
    %dma_start3A_64 = tpu.memref_slice %arg6[%dma_start3A_63] : memref<32768xf32, #tpu.memory_space<vmem>> -> memref<4096xf32, #tpu.memory_space<vmem>>
    tpu.enqueue_dma source(%dma_start3A_64 : memref<4096xf32, #tpu.memory_space<vmem>>) target(%dma_start3A_62 : memref<4096xf32, #tpu.memory_space<hbm>>) target_semaphore(%arg10 : memref<!tpu.dma_semaphore, #tpu.memory_space<semaphore_mem>>)
    %mul3A_65 = arith.constant 4096 : i32
    %mul3A_66 = arith.muli %add3A, %mul3A_65 : i32
    %add3A_67 = arith.constant 655360 : i32
    %add3A_68 = arith.addi %add3A_67, %mul3A_66 : i32
    %dma_start3A_69 = arith.constant 20480 : i32
    %dma_start3A_70 = tpu.memref_slice %arg6[%dma_start3A_69] : memref<32768xf32, #tpu.memory_space<vmem>> -> memref<4096xf32, #tpu.memory_space<vmem>>
    %dma_start3A_71 = tpu.memref_slice %arg5[%add3A_68] : memref<1048576xf32, #tpu.memory_space<hbm>> -> memref<4096xf32, #tpu.memory_space<hbm>>
    %dma_start3A_72 = tpu.memref_slice %arg5[%add3A_68] : memref<1048576xf32, #tpu.memory_space<hbm>> -> memref<4096xf32, #tpu.memory_space<hbm>>
    %dma_start3A_73 = arith.constant 20480 : i32
    %dma_start3A_74 = tpu.memref_slice %arg6[%dma_start3A_73] : memref<32768xf32, #tpu.memory_space<vmem>> -> memref<4096xf32, #tpu.memory_space<vmem>>
    tpu.enqueue_dma source(%dma_start3A_74 : memref<4096xf32, #tpu.memory_space<vmem>>) target(%dma_start3A_72 : memref<4096xf32, #tpu.memory_space<hbm>>) target_semaphore(%arg10 : memref<!tpu.dma_semaphore, #tpu.memory_space<semaphore_mem>>)
    %mul3A_75 = arith.constant 4096 : i32
    %mul3A_76 = arith.muli %add3A, %mul3A_75 : i32
    %add3A_77 = arith.constant 786432 : i32
    %add3A_78 = arith.addi %add3A_77, %mul3A_76 : i32
    %dma_start3A_79 = arith.constant 24576 : i32
    %dma_start3A_80 = tpu.memref_slice %arg6[%dma_start3A_79] : memref<32768xf32, #tpu.memory_space<vmem>> -> memref<4096xf32, #tpu.memory_space<vmem>>
    %dma_start3A_81 = tpu.memref_slice %arg5[%add3A_78] : memref<1048576xf32, #tpu.memory_space<hbm>> -> memref<4096xf32, #tpu.memory_space<hbm>>
    %dma_start3A_82 = tpu.memref_slice %arg5[%add3A_78] : memref<1048576xf32, #tpu.memory_space<hbm>> -> memref<4096xf32, #tpu.memory_space<hbm>>
    %dma_start3A_83 = arith.constant 24576 : i32
    %dma_start3A_84 = tpu.memref_slice %arg6[%dma_start3A_83] : memref<32768xf32, #tpu.memory_space<vmem>> -> memref<4096xf32, #tpu.memory_space<vmem>>
    tpu.enqueue_dma source(%dma_start3A_84 : memref<4096xf32, #tpu.memory_space<vmem>>) target(%dma_start3A_82 : memref<4096xf32, #tpu.memory_space<hbm>>) target_semaphore(%arg10 : memref<!tpu.dma_semaphore, #tpu.memory_space<semaphore_mem>>)
    %mul3A_85 = arith.constant 4096 : i32
    %mul3A_86 = arith.muli %add3A, %mul3A_85 : i32
    %add3A_87 = arith.constant 917504 : i32
    %add3A_88 = arith.addi %add3A_87, %mul3A_86 : i32
    %dma_start3A_89 = arith.constant 28672 : i32
    %dma_start3A_90 = tpu.memref_slice %arg6[%dma_start3A_89] : memref<32768xf32, #tpu.memory_space<vmem>> -> memref<4096xf32, #tpu.memory_space<vmem>>
    %dma_start3A_91 = tpu.memref_slice %arg5[%add3A_88] : memref<1048576xf32, #tpu.memory_space<hbm>> -> memref<4096xf32, #tpu.memory_space<hbm>>
    %dma_start3A_92 = tpu.memref_slice %arg5[%add3A_88] : memref<1048576xf32, #tpu.memory_space<hbm>> -> memref<4096xf32, #tpu.memory_space<hbm>>
    %dma_start3A_93 = arith.constant 28672 : i32
    %dma_start3A_94 = tpu.memref_slice %arg6[%dma_start3A_93] : memref<32768xf32, #tpu.memory_space<vmem>> -> memref<4096xf32, #tpu.memory_space<vmem>>
    tpu.enqueue_dma source(%dma_start3A_94 : memref<4096xf32, #tpu.memory_space<vmem>>) target(%dma_start3A_92 : memref<4096xf32, #tpu.memory_space<hbm>>) target_semaphore(%arg10 : memref<!tpu.dma_semaphore, #tpu.memory_space<semaphore_mem>>)
    %dma_wait3A_95 = arith.constant 0 : i32
    %dma_wait3A_96 = tpu.memref_slice %arg6[%dma_wait3A_95] : memref<32768xf32, #tpu.memory_space<vmem>> -> memref<4096xf32, #tpu.memory_space<vmem>>
    %dma_wait3A_97 = tpu.memref_slice %arg5[%add3A_18] : memref<1048576xf32, #tpu.memory_space<hbm>> -> memref<4096xf32, #tpu.memory_space<hbm>>
    %dma_wait3A_98 = tpu.memref_slice %arg5[%add3A_18] : memref<1048576xf32, #tpu.memory_space<hbm>> -> memref<4096xf32, #tpu.memory_space<hbm>>
    %dma_wait3A_99 = arith.constant 0 : i32
    %dma_wait3A_100 = tpu.memref_slice %arg6[%dma_wait3A_99] : memref<32768xf32, #tpu.memory_space<vmem>> -> memref<4096xf32, #tpu.memory_space<vmem>>
    tpu.wait_dma2 semaphore(%arg10 : memref<!tpu.dma_semaphore, #tpu.memory_space<semaphore_mem>>) src(%dma_wait3A_100 : memref<4096xf32, #tpu.memory_space<vmem>>) dst(%dma_wait3A_98 : memref<4096xf32, #tpu.memory_space<hbm>>)
    %dma_wait3A_101 = arith.constant 4096 : i32
    %dma_wait3A_102 = tpu.memref_slice %arg6[%dma_wait3A_101] : memref<32768xf32, #tpu.memory_space<vmem>> -> memref<4096xf32, #tpu.memory_space<vmem>>
    %dma_wait3A_103 = tpu.memref_slice %arg5[%add3A_28] : memref<1048576xf32, #tpu.memory_space<hbm>> -> memref<4096xf32, #tpu.memory_space<hbm>>
    %dma_wait3A_104 = tpu.memref_slice %arg5[%add3A_28] : memref<1048576xf32, #tpu.memory_space<hbm>> -> memref<4096xf32, #tpu.memory_space<hbm>>
    %dma_wait3A_105 = arith.constant 4096 : i32
    %dma_wait3A_106 = tpu.memref_slice %arg6[%dma_wait3A_105] : memref<32768xf32, #tpu.memory_space<vmem>> -> memref<4096xf32, #tpu.memory_space<vmem>>
    tpu.wait_dma2 semaphore(%arg10 : memref<!tpu.dma_semaphore, #tpu.memory_space<semaphore_mem>>) src(%dma_wait3A_106 : memref<4096xf32, #tpu.memory_space<vmem>>) dst(%dma_wait3A_104 : memref<4096xf32, #tpu.memory_space<hbm>>)
    %dma_wait3A_107 = arith.constant 8192 : i32
    %dma_wait3A_108 = tpu.memref_slice %arg6[%dma_wait3A_107] : memref<32768xf32, #tpu.memory_space<vmem>> -> memref<4096xf32, #tpu.memory_space<vmem>>
    %dma_wait3A_109 = tpu.memref_slice %arg5[%add3A_38] : memref<1048576xf32, #tpu.memory_space<hbm>> -> memref<4096xf32, #tpu.memory_space<hbm>>
    %dma_wait3A_110 = tpu.memref_slice %arg5[%add3A_38] : memref<1048576xf32, #tpu.memory_space<hbm>> -> memref<4096xf32, #tpu.memory_space<hbm>>
    %dma_wait3A_111 = arith.constant 8192 : i32
    %dma_wait3A_112 = tpu.memref_slice %arg6[%dma_wait3A_111] : memref<32768xf32, #tpu.memory_space<vmem>> -> memref<4096xf32, #tpu.memory_space<vmem>>
    tpu.wait_dma2 semaphore(%arg10 : memref<!tpu.dma_semaphore, #tpu.memory_space<semaphore_mem>>) src(%dma_wait3A_112 : memref<4096xf32, #tpu.memory_space<vmem>>) dst(%dma_wait3A_110 : memref<4096xf32, #tpu.memory_space<hbm>>)
    %dma_wait3A_113 = arith.constant 12288 : i32
    %dma_wait3A_114 = tpu.memref_slice %arg6[%dma_wait3A_113] : memref<32768xf32, #tpu.memory_space<vmem>> -> memref<4096xf32, #tpu.memory_space<vmem>>
    %dma_wait3A_115 = tpu.memref_slice %arg5[%add3A_48] : memref<1048576xf32, #tpu.memory_space<hbm>> -> memref<4096xf32, #tpu.memory_space<hbm>>
    %dma_wait3A_116 = tpu.memref_slice %arg5[%add3A_48] : memref<1048576xf32, #tpu.memory_space<hbm>> -> memref<4096xf32, #tpu.memory_space<hbm>>
    %dma_wait3A_117 = arith.constant 12288 : i32
    %dma_wait3A_118 = tpu.memref_slice %arg6[%dma_wait3A_117] : memref<32768xf32, #tpu.memory_space<vmem>> -> memref<4096xf32, #tpu.memory_space<vmem>>
    tpu.wait_dma2 semaphore(%arg10 : memref<!tpu.dma_semaphore, #tpu.memory_space<semaphore_mem>>) src(%dma_wait3A_118 : memref<4096xf32, #tpu.memory_space<vmem>>) dst(%dma_wait3A_116 : memref<4096xf32, #tpu.memory_space<hbm>>)
    %dma_wait3A_119 = arith.constant 16384 : i32
    %dma_wait3A_120 = tpu.memref_slice %arg6[%dma_wait3A_119] : memref<32768xf32, #tpu.memory_space<vmem>> -> memref<4096xf32, #tpu.memory_space<vmem>>
    %dma_wait3A_121 = tpu.memref_slice %arg5[%add3A_58] : memref<1048576xf32, #tpu.memory_space<hbm>> -> memref<4096xf32, #tpu.memory_space<hbm>>
    %dma_wait3A_122 = tpu.memref_slice %arg5[%add3A_58] : memref<1048576xf32, #tpu.memory_space<hbm>> -> memref<4096xf32, #tpu.memory_space<hbm>>
    %dma_wait3A_123 = arith.constant 16384 : i32
    %dma_wait3A_124 = tpu.memref_slice %arg6[%dma_wait3A_123] : memref<32768xf32, #tpu.memory_space<vmem>> -> memref<4096xf32, #tpu.memory_space<vmem>>
    tpu.wait_dma2 semaphore(%arg10 : memref<!tpu.dma_semaphore, #tpu.memory_space<semaphore_mem>>) src(%dma_wait3A_124 : memref<4096xf32, #tpu.memory_space<vmem>>) dst(%dma_wait3A_122 : memref<4096xf32, #tpu.memory_space<hbm>>)
    %dma_wait3A_125 = arith.constant 20480 : i32
    %dma_wait3A_126 = tpu.memref_slice %arg6[%dma_wait3A_125] : memref<32768xf32, #tpu.memory_space<vmem>> -> memref<4096xf32, #tpu.memory_space<vmem>>
    %dma_wait3A_127 = tpu.memref_slice %arg5[%add3A_68] : memref<1048576xf32, #tpu.memory_space<hbm>> -> memref<4096xf32, #tpu.memory_space<hbm>>
    %dma_wait3A_128 = tpu.memref_slice %arg5[%add3A_68] : memref<1048576xf32, #tpu.memory_space<hbm>> -> memref<4096xf32, #tpu.memory_space<hbm>>
    %dma_wait3A_129 = arith.constant 20480 : i32
    %dma_wait3A_130 = tpu.memref_slice %arg6[%dma_wait3A_129] : memref<32768xf32, #tpu.memory_space<vmem>> -> memref<4096xf32, #tpu.memory_space<vmem>>
    tpu.wait_dma2 semaphore(%arg10 : memref<!tpu.dma_semaphore, #tpu.memory_space<semaphore_mem>>) src(%dma_wait3A_130 : memref<4096xf32, #tpu.memory_space<vmem>>) dst(%dma_wait3A_128 : memref<4096xf32, #tpu.memory_space<hbm>>)
    %dma_wait3A_131 = arith.constant 24576 : i32
    %dma_wait3A_132 = tpu.memref_slice %arg6[%dma_wait3A_131] : memref<32768xf32, #tpu.memory_space<vmem>> -> memref<4096xf32, #tpu.memory_space<vmem>>
    %dma_wait3A_133 = tpu.memref_slice %arg5[%add3A_78] : memref<1048576xf32, #tpu.memory_space<hbm>> -> memref<4096xf32, #tpu.memory_space<hbm>>
    %dma_wait3A_134 = tpu.memref_slice %arg5[%add3A_78] : memref<1048576xf32, #tpu.memory_space<hbm>> -> memref<4096xf32, #tpu.memory_space<hbm>>
    %dma_wait3A_135 = arith.constant 24576 : i32
    %dma_wait3A_136 = tpu.memref_slice %arg6[%dma_wait3A_135] : memref<32768xf32, #tpu.memory_space<vmem>> -> memref<4096xf32, #tpu.memory_space<vmem>>
    tpu.wait_dma2 semaphore(%arg10 : memref<!tpu.dma_semaphore, #tpu.memory_space<semaphore_mem>>) src(%dma_wait3A_136 : memref<4096xf32, #tpu.memory_space<vmem>>) dst(%dma_wait3A_134 : memref<4096xf32, #tpu.memory_space<hbm>>)
    %dma_wait3A_137 = arith.constant 28672 : i32
    %dma_wait3A_138 = tpu.memref_slice %arg6[%dma_wait3A_137] : memref<32768xf32, #tpu.memory_space<vmem>> -> memref<4096xf32, #tpu.memory_space<vmem>>
    %dma_wait3A_139 = tpu.memref_slice %arg5[%add3A_88] : memref<1048576xf32, #tpu.memory_space<hbm>> -> memref<4096xf32, #tpu.memory_space<hbm>>
    %dma_wait3A_140 = tpu.memref_slice %arg5[%add3A_88] : memref<1048576xf32, #tpu.memory_space<hbm>> -> memref<4096xf32, #tpu.memory_space<hbm>>
    %dma_wait3A_141 = arith.constant 28672 : i32
    %dma_wait3A_142 = tpu.memref_slice %arg6[%dma_wait3A_141] : memref<32768xf32, #tpu.memory_space<vmem>> -> memref<4096xf32, #tpu.memory_space<vmem>>
    tpu.wait_dma2 semaphore(%arg10 : memref<!tpu.dma_semaphore, #tpu.memory_space<semaphore_mem>>) src(%dma_wait3A_142 : memref<4096xf32, #tpu.memory_space<vmem>>) dst(%dma_wait3A_140 : memref<4096xf32, #tpu.memory_space<hbm>>)
    return
  }
}

module attributes {stable_mosaic.version = 14 : i64} {
  func.func @_gate_table_body(%arg0: memref<128x128xi32, #tpu.memory_space<vmem>>, %arg1: memref<6x32xf32, #tpu.memory_space<vmem>>, %arg2: memref<32x32xf32, #tpu.memory_space<vmem>>, %arg3: memref<32x32xf32, #tpu.memory_space<vmem>>, %arg4: memref<32x32xf32, #tpu.memory_space<vmem>>, %arg5: memref<32x64xf32, #tpu.memory_space<vmem>>, %arg6: memref<1x16xi32, #tpu.memory_space<vmem>>, %arg7: memref<1x16xf32, #tpu.memory_space<vmem>>, %arg8: memref<1x64xf32, #tpu.memory_space<vmem>>) attributes {dimension_semantics = [], scalar_prefetch = 0 : i64, scratch_operands = 0 : i64, tpu.core_type = #tpu.core_type<tc>} {
    %get3A = arith.constant 0 : index
    %get3A_0 = arith.constant 0 : index
    %get3A_1 = vector.load %arg2[%get3A, %get3A_0] : memref<32x32xf32, #tpu.memory_space<vmem>>, vector<32x32xf32>
    %get3A_2 = arith.constant 0 : index
    %get3A_3 = arith.constant 0 : index
    %get3A_4 = vector.load %arg1[%get3A_2, %get3A_3] : memref<6x32xf32, #tpu.memory_space<vmem>>, vector<6x32xf32>
    %dot_general3A = arith.constant dense<0.000000e+00> : vector<32x6xf32>
    %dot_general3A_5 = tpu.matmul %get3A_1, %get3A_4, %dot_general3A {dimension_numbers = #tpu.dot_dimension_numbers<[1], [1], [0], [0], [0, 0, 1, 0], [], []>, precision = #tpu.contract_precision<fp32>, transpose_lhs_hint = false} : vector<32x32xf32>, vector<6x32xf32>, vector<32x6xf32> -> vector<32x6xf32>
    %broadcast_in_dim3A = arith.constant 0.000000e+00 : f32
    %broadcast_in_dim3A_6 = vector.broadcast %broadcast_in_dim3A : f32 to vector<32x2xf32>
    %concatenate3A = tpu.concatenate %dot_general3A_5, %broadcast_in_dim3A_6 in 1 : vector<32x6xf32>, vector<32x2xf32> -> vector<32x8xf32>
    %get3A_7 = arith.constant 0 : index
    %get3A_8 = arith.constant 0 : index
    %get3A_9 = vector.load %arg4[%get3A_7, %get3A_8] : memref<32x32xf32, #tpu.memory_space<vmem>>, vector<32x32xf32>
    %get3A_10 = arith.constant 0 : index
    %get3A_11 = arith.constant 0 : index
    %get3A_12 = vector.load %arg3[%get3A_10, %get3A_11] : memref<32x32xf32, #tpu.memory_space<vmem>>, vector<32x32xf32>
    %dot_general3A_13 = arith.constant dense<0.000000e+00> : vector<32x32xf32>
    %dot_general3A_14 = tpu.matmul %get3A_9, %get3A_12, %dot_general3A_13 {dimension_numbers = #tpu.dot_dimension_numbers<[1], [1], [0], [0], [0, 0, 1, 0], [], []>, precision = #tpu.contract_precision<fp32>, transpose_lhs_hint = false} : vector<32x32xf32>, vector<32x32xf32>, vector<32x32xf32> -> vector<32x32xf32>
    %broadcast_in_dim3A_15 = arith.constant 0.000000e+00 : f32
    %broadcast_in_dim3A_16 = vector.broadcast %broadcast_in_dim3A_15 : f32 to vector<32x8xf32>
    %slice3A = vector.extract_strided_slice %dot_general3A_14 {offsets = [0, 0], sizes = [32, 8], strides = [1, 1]} : vector<32x32xf32> to vector<32x8xf32>
    %slice3A_17 = vector.extract_strided_slice %concatenate3A {offsets = [0, 0], sizes = [8, 8], strides = [1, 1]} : vector<32x8xf32> to vector<8x8xf32>
    %dot_general3A_18 = arith.constant dense<0.000000e+00> : vector<32x8xf32>
    %dot_general3A_19 = tpu.matmul %slice3A, %slice3A_17, %dot_general3A_18 {dimension_numbers = #tpu.dot_dimension_numbers<[1], [0], [0], [1], [0, 0, 1, 1], [], []>, precision = #tpu.contract_precision<fp32>, transpose_lhs_hint = false} : vector<32x8xf32>, vector<8x8xf32>, vector<32x8xf32> -> vector<32x8xf32>
    %mul3A = arith.constant 0.353553385 : f32
    %mul3A_20 = vector.broadcast %mul3A : f32 to vector<32x8xf32>
    %mul3A_21 = arith.mulf %dot_general3A_19, %mul3A_20 : vector<32x8xf32>
    %reduce_max3A = arith.constant dense<0xFF800000> : vector<8xf32>
    %reduce_max3A_22 = vector.multi_reduction <maximumf>, %mul3A_21, %reduce_max3A [0] : vector<32x8xf32> to vector<8xf32>
    %broadcast_in_dim3A_23 = vector.shape_cast %reduce_max3A_22 : vector<8xf32> to vector<1x8xf32>
    %sub3A = vector.broadcast %broadcast_in_dim3A_23 : vector<1x8xf32> to vector<32x8xf32>
    %sub3A_24 = arith.subf %mul3A_21, %sub3A : vector<32x8xf32>
    %exp3A = math.exp %sub3A_24 : vector<32x8xf32>
    %reduce_sum3A = arith.constant dense<0.000000e+00> : vector<8xf32>
    %reduce_sum3A_25 = vector.multi_reduction <add>, %exp3A, %reduce_sum3A [0] : vector<32x8xf32> to vector<8xf32>
    %broadcast_in_dim3A_26 = vector.shape_cast %reduce_sum3A_25 : vector<8xf32> to vector<1x8xf32>
    %div3A = vector.broadcast %broadcast_in_dim3A_26 : vector<1x8xf32> to vector<32x8xf32>
    %div3A_27 = arith.divf %exp3A, %div3A : vector<32x8xf32>
    %add3A = arith.addf %broadcast_in_dim3A_16, %div3A_27 : vector<32x8xf32>
    %slice3A_28 = vector.extract_strided_slice %dot_general3A_14 {offsets = [0, 8], sizes = [32, 8], strides = [1, 1]} : vector<32x32xf32> to vector<32x8xf32>
    %slice3A_29 = vector.extract_strided_slice %concatenate3A {offsets = [8, 0], sizes = [8, 8], strides = [1, 1]} : vector<32x8xf32> to vector<8x8xf32>
    %dot_general3A_30 = arith.constant dense<0.000000e+00> : vector<32x8xf32>
    %dot_general3A_31 = tpu.matmul %slice3A_28, %slice3A_29, %dot_general3A_30 {dimension_numbers = #tpu.dot_dimension_numbers<[1], [0], [0], [1], [0, 0, 1, 1], [], []>, precision = #tpu.contract_precision<fp32>, transpose_lhs_hint = false} : vector<32x8xf32>, vector<8x8xf32>, vector<32x8xf32> -> vector<32x8xf32>
    %mul3A_32 = arith.constant 0.353553385 : f32
    %mul3A_33 = vector.broadcast %mul3A_32 : f32 to vector<32x8xf32>
    %mul3A_34 = arith.mulf %dot_general3A_31, %mul3A_33 : vector<32x8xf32>
    %reduce_max3A_35 = arith.constant dense<0xFF800000> : vector<8xf32>
    %reduce_max3A_36 = vector.multi_reduction <maximumf>, %mul3A_34, %reduce_max3A_35 [0] : vector<32x8xf32> to vector<8xf32>
    %broadcast_in_dim3A_37 = vector.shape_cast %reduce_max3A_36 : vector<8xf32> to vector<1x8xf32>
    %sub3A_38 = vector.broadcast %broadcast_in_dim3A_37 : vector<1x8xf32> to vector<32x8xf32>
    %sub3A_39 = arith.subf %mul3A_34, %sub3A_38 : vector<32x8xf32>
    %exp3A_40 = math.exp %sub3A_39 : vector<32x8xf32>
    %reduce_sum3A_41 = arith.constant dense<0.000000e+00> : vector<8xf32>
    %reduce_sum3A_42 = vector.multi_reduction <add>, %exp3A_40, %reduce_sum3A_41 [0] : vector<32x8xf32> to vector<8xf32>
    %broadcast_in_dim3A_43 = vector.shape_cast %reduce_sum3A_42 : vector<8xf32> to vector<1x8xf32>
    %div3A_44 = vector.broadcast %broadcast_in_dim3A_43 : vector<1x8xf32> to vector<32x8xf32>
    %div3A_45 = arith.divf %exp3A_40, %div3A_44 : vector<32x8xf32>
    %add3A_46 = arith.addf %add3A, %div3A_45 : vector<32x8xf32>
    %slice3A_47 = vector.extract_strided_slice %dot_general3A_14 {offsets = [0, 16], sizes = [32, 8], strides = [1, 1]} : vector<32x32xf32> to vector<32x8xf32>
    %slice3A_48 = vector.extract_strided_slice %concatenate3A {offsets = [16, 0], sizes = [8, 8], strides = [1, 1]} : vector<32x8xf32> to vector<8x8xf32>
    %dot_general3A_49 = arith.constant dense<0.000000e+00> : vector<32x8xf32>
    %dot_general3A_50 = tpu.matmul %slice3A_47, %slice3A_48, %dot_general3A_49 {dimension_numbers = #tpu.dot_dimension_numbers<[1], [0], [0], [1], [0, 0, 1, 1], [], []>, precision = #tpu.contract_precision<fp32>, transpose_lhs_hint = false} : vector<32x8xf32>, vector<8x8xf32>, vector<32x8xf32> -> vector<32x8xf32>
    %mul3A_51 = arith.constant 0.353553385 : f32
    %mul3A_52 = vector.broadcast %mul3A_51 : f32 to vector<32x8xf32>
    %mul3A_53 = arith.mulf %dot_general3A_50, %mul3A_52 : vector<32x8xf32>
    %reduce_max3A_54 = arith.constant dense<0xFF800000> : vector<8xf32>
    %reduce_max3A_55 = vector.multi_reduction <maximumf>, %mul3A_53, %reduce_max3A_54 [0] : vector<32x8xf32> to vector<8xf32>
    %broadcast_in_dim3A_56 = vector.shape_cast %reduce_max3A_55 : vector<8xf32> to vector<1x8xf32>
    %sub3A_57 = vector.broadcast %broadcast_in_dim3A_56 : vector<1x8xf32> to vector<32x8xf32>
    %sub3A_58 = arith.subf %mul3A_53, %sub3A_57 : vector<32x8xf32>
    %exp3A_59 = math.exp %sub3A_58 : vector<32x8xf32>
    %reduce_sum3A_60 = arith.constant dense<0.000000e+00> : vector<8xf32>
    %reduce_sum3A_61 = vector.multi_reduction <add>, %exp3A_59, %reduce_sum3A_60 [0] : vector<32x8xf32> to vector<8xf32>
    %broadcast_in_dim3A_62 = vector.shape_cast %reduce_sum3A_61 : vector<8xf32> to vector<1x8xf32>
    %div3A_63 = vector.broadcast %broadcast_in_dim3A_62 : vector<1x8xf32> to vector<32x8xf32>
    %div3A_64 = arith.divf %exp3A_59, %div3A_63 : vector<32x8xf32>
    %add3A_65 = arith.addf %add3A_46, %div3A_64 : vector<32x8xf32>
    %slice3A_66 = vector.extract_strided_slice %dot_general3A_14 {offsets = [0, 24], sizes = [32, 8], strides = [1, 1]} : vector<32x32xf32> to vector<32x8xf32>
    %slice3A_67 = vector.extract_strided_slice %concatenate3A {offsets = [24, 0], sizes = [8, 8], strides = [1, 1]} : vector<32x8xf32> to vector<8x8xf32>
    %dot_general3A_68 = arith.constant dense<0.000000e+00> : vector<32x8xf32>
    %dot_general3A_69 = tpu.matmul %slice3A_66, %slice3A_67, %dot_general3A_68 {dimension_numbers = #tpu.dot_dimension_numbers<[1], [0], [0], [1], [0, 0, 1, 1], [], []>, precision = #tpu.contract_precision<fp32>, transpose_lhs_hint = false} : vector<32x8xf32>, vector<8x8xf32>, vector<32x8xf32> -> vector<32x8xf32>
    %mul3A_70 = arith.constant 0.353553385 : f32
    %mul3A_71 = vector.broadcast %mul3A_70 : f32 to vector<32x8xf32>
    %mul3A_72 = arith.mulf %dot_general3A_69, %mul3A_71 : vector<32x8xf32>
    %reduce_max3A_73 = arith.constant dense<0xFF800000> : vector<8xf32>
    %reduce_max3A_74 = vector.multi_reduction <maximumf>, %mul3A_72, %reduce_max3A_73 [0] : vector<32x8xf32> to vector<8xf32>
    %broadcast_in_dim3A_75 = vector.shape_cast %reduce_max3A_74 : vector<8xf32> to vector<1x8xf32>
    %sub3A_76 = vector.broadcast %broadcast_in_dim3A_75 : vector<1x8xf32> to vector<32x8xf32>
    %sub3A_77 = arith.subf %mul3A_72, %sub3A_76 : vector<32x8xf32>
    %exp3A_78 = math.exp %sub3A_77 : vector<32x8xf32>
    %reduce_sum3A_79 = arith.constant dense<0.000000e+00> : vector<8xf32>
    %reduce_sum3A_80 = vector.multi_reduction <add>, %exp3A_78, %reduce_sum3A_79 [0] : vector<32x8xf32> to vector<8xf32>
    %broadcast_in_dim3A_81 = vector.shape_cast %reduce_sum3A_80 : vector<8xf32> to vector<1x8xf32>
    %div3A_82 = vector.broadcast %broadcast_in_dim3A_81 : vector<1x8xf32> to vector<32x8xf32>
    %div3A_83 = arith.divf %exp3A_78, %div3A_82 : vector<32x8xf32>
    %add3A_84 = arith.addf %add3A_65, %div3A_83 : vector<32x8xf32>
    %mul3A_85 = arith.constant 2.500000e-01 : f32
    %mul3A_86 = vector.broadcast %mul3A_85 : f32 to vector<32x8xf32>
    %mul3A_87 = arith.mulf %add3A_84, %mul3A_86 : vector<32x8xf32>
    %reduce_max3A_88 = arith.constant dense<0xFF800000> : vector<8xf32>
    %reduce_max3A_89 = vector.multi_reduction <maximumf>, %mul3A_87, %reduce_max3A_88 [0] : vector<32x8xf32> to vector<8xf32>
    %broadcast_in_dim3A_90 = vector.shape_cast %reduce_max3A_89 : vector<8xf32> to vector<1x8xf32>
    %sub3A_91 = vector.broadcast %broadcast_in_dim3A_90 : vector<1x8xf32> to vector<32x8xf32>
    %sub3A_92 = arith.subf %mul3A_87, %sub3A_91 : vector<32x8xf32>
    %exp3A_93 = math.exp %sub3A_92 : vector<32x8xf32>
    %reduce_sum3A_94 = arith.constant dense<0.000000e+00> : vector<8xf32>
    %reduce_sum3A_95 = vector.multi_reduction <add>, %exp3A_93, %reduce_sum3A_94 [0] : vector<32x8xf32> to vector<8xf32>
    %broadcast_in_dim3A_96 = vector.shape_cast %reduce_sum3A_95 : vector<8xf32> to vector<1x8xf32>
    %div3A_97 = vector.broadcast %broadcast_in_dim3A_96 : vector<1x8xf32> to vector<32x8xf32>
    %div3A_98 = arith.divf %exp3A_93, %div3A_97 : vector<32x8xf32>
    %get3A_99 = arith.constant 0 : index
    %get3A_100 = arith.constant 0 : index
    %get3A_101 = vector.load %arg5[%get3A_99, %get3A_100] : memref<32x64xf32, #tpu.memory_space<vmem>>, vector<32x64xf32>
    %dot_general3A_102 = arith.constant dense<0.000000e+00> : vector<64x8xf32>
    %dot_general3A_103 = tpu.matmul %get3A_101, %div3A_98, %dot_general3A_102 {dimension_numbers = #tpu.dot_dimension_numbers<[0], [0], [1], [1], [0, 1, 1, 1], [], []>, precision = #tpu.contract_precision<fp32>, transpose_lhs_hint = false} : vector<32x64xf32>, vector<32x8xf32>, vector<64x8xf32> -> vector<64x8xf32>
    %iota3A = tpu.iota {dimensions = array<i32: 0>} : vector<64x8xi32>
    %reduce_max3A_104 = arith.constant dense<0xFF800000> : vector<8xf32>
    %reduce_max3A_105 = vector.multi_reduction <maximumf>, %dot_general3A_103, %reduce_max3A_104 [0] : vector<64x8xf32> to vector<8xf32>
    %broadcast_in_dim3A_106 = vector.shape_cast %reduce_max3A_105 : vector<8xf32> to vector<1x8xf32>
    %eq3A = vector.broadcast %broadcast_in_dim3A_106 : vector<1x8xf32> to vector<64x8xf32>
    %eq3A_107 = arith.cmpf oeq, %dot_general3A_103, %eq3A : vector<64x8xf32>
    %jit3A = arith.constant 64 : i32
    %broadcast_in_dim3A_108 = vector.broadcast %jit3A : i32 to vector<64x8xi32>
    %select_n3A = arith.select %eq3A_107, %iota3A, %broadcast_in_dim3A_108 : vector<64x8xi1>, vector<64x8xi32>
    %reduce_min3A = arith.constant dense<2147483647> : vector<8xi32>
    %reduce_min3A_109 = vector.multi_reduction <minsi>, %select_n3A, %reduce_min3A [0] : vector<64x8xi32> to vector<8xi32>
    %broadcast_in_dim3A_110 = vector.shape_cast %reduce_min3A_109 : vector<8xi32> to vector<1x8xi32>
    %eq3A_111 = vector.broadcast %broadcast_in_dim3A_110 : vector<1x8xi32> to vector<64x8xi32>
    %eq3A_112 = arith.cmpi eq, %iota3A, %eq3A_111 : vector<64x8xi32>
    %jit3A_113 = arith.constant 0xFF800000 : f32
    %broadcast_in_dim3A_114 = vector.broadcast %jit3A_113 : f32 to vector<64x8xf32>
    %select_n3A_115 = arith.select %eq3A_112, %broadcast_in_dim3A_114, %dot_general3A_103 : vector<64x8xi1>, vector<64x8xf32>
    %reduce_max3A_116 = arith.constant dense<0xFF800000> : vector<8xf32>
    %reduce_max3A_117 = vector.multi_reduction <maximumf>, %select_n3A_115, %reduce_max3A_116 [0] : vector<64x8xf32> to vector<8xf32>
    %broadcast_in_dim3A_118 = vector.shape_cast %reduce_max3A_117 : vector<8xf32> to vector<1x8xf32>
    %eq3A_119 = vector.broadcast %broadcast_in_dim3A_118 : vector<1x8xf32> to vector<64x8xf32>
    %eq3A_120 = arith.cmpf oeq, %select_n3A_115, %eq3A_119 : vector<64x8xf32>
    %jit3A_121 = arith.constant 64 : i32
    %broadcast_in_dim3A_122 = vector.broadcast %jit3A_121 : i32 to vector<64x8xi32>
    %select_n3A_123 = arith.select %eq3A_120, %iota3A, %broadcast_in_dim3A_122 : vector<64x8xi1>, vector<64x8xi32>
    %reduce_min3A_124 = arith.constant dense<2147483647> : vector<8xi32>
    %reduce_min3A_125 = vector.multi_reduction <minsi>, %select_n3A_123, %reduce_min3A_124 [0] : vector<64x8xi32> to vector<8xi32>
    %broadcast_in_dim3A_126 = vector.shape_cast %reduce_min3A_125 : vector<8xi32> to vector<1x8xi32>
    %sub3A_127 = arith.subf %broadcast_in_dim3A_118, %broadcast_in_dim3A_106 : vector<1x8xf32>
    %exp3A_128 = math.exp %sub3A_127 : vector<1x8xf32>
    %add3A_129 = arith.constant 1.000000e+00 : f32
    %add3A_130 = vector.broadcast %add3A_129 : f32 to vector<1x8xf32>
    %add3A_131 = arith.addf %add3A_130, %exp3A_128 : vector<1x8xf32>
    %div3A_132 = arith.constant 1.000000e+00 : f32
    %div3A_133 = vector.broadcast %div3A_132 : f32 to vector<1x8xf32>
    %div3A_134 = arith.divf %div3A_133, %add3A_131 : vector<1x8xf32>
    %div3A_135 = arith.divf %exp3A_128, %add3A_131 : vector<1x8xf32>
    %concatenate3A_136 = tpu.concatenate %broadcast_in_dim3A_110, %broadcast_in_dim3A_126 in 1 : vector<1x8xi32>, vector<1x8xi32> -> vector<1x16xi32>
    %swap3A = arith.constant 0 : index
    %swap3A_137 = arith.constant 0 : index
    %swap3A_138 = vector.load %arg6[%swap3A, %swap3A_137] : memref<1x16xi32, #tpu.memory_space<vmem>>, vector<1x16xi32>
    tpu.vector_store %arg6[%swap3A, %swap3A_137], %concatenate3A_136 {strides = array<i32>} : memref<1x16xi32, #tpu.memory_space<vmem>>, vector<1x16xi32>,
    %concatenate3A_139 = tpu.concatenate %div3A_134, %div3A_135 in 1 : vector<1x8xf32>, vector<1x8xf32> -> vector<1x16xf32>
    %swap3A_140 = arith.constant 0 : index
    %swap3A_141 = arith.constant 0 : index
    %swap3A_142 = vector.load %arg7[%swap3A_140, %swap3A_141] : memref<1x16xf32, #tpu.memory_space<vmem>>, vector<1x16xf32>
    tpu.vector_store %arg7[%swap3A_140, %swap3A_141], %concatenate3A_139 {strides = array<i32>} : memref<1x16xf32, #tpu.memory_space<vmem>>, vector<1x16xf32>,
    %eq3A_143 = vector.broadcast %broadcast_in_dim3A_110 : vector<1x8xi32> to vector<64x8xi32>
    %eq3A_144 = arith.cmpi eq, %iota3A, %eq3A_143 : vector<64x8xi32>
    %jit3A_145 = arith.constant 0.000000e+00 : f32
    %broadcast_in_dim3A_146 = vector.shape_cast %div3A_134 : vector<1x8xf32> to vector<1x8xf32>
    %broadcast_in_dim3A_147 = vector.broadcast %broadcast_in_dim3A_146 : vector<1x8xf32> to vector<64x8xf32>
    %broadcast_in_dim3A_148 = vector.broadcast %jit3A_145 : f32 to vector<64x8xf32>
    %select_n3A_149 = arith.select %eq3A_144, %broadcast_in_dim3A_147, %broadcast_in_dim3A_148 : vector<64x8xi1>, vector<64x8xf32>
    %eq3A_150 = vector.broadcast %broadcast_in_dim3A_126 : vector<1x8xi32> to vector<64x8xi32>
    %eq3A_151 = arith.cmpi eq, %iota3A, %eq3A_150 : vector<64x8xi32>
    %jit3A_152 = arith.constant 0.000000e+00 : f32
    %broadcast_in_dim3A_153 = vector.shape_cast %div3A_135 : vector<1x8xf32> to vector<1x8xf32>
    %broadcast_in_dim3A_154 = vector.broadcast %broadcast_in_dim3A_153 : vector<1x8xf32> to vector<64x8xf32>
    %broadcast_in_dim3A_155 = vector.broadcast %jit3A_152 : f32 to vector<64x8xf32>
    %select_n3A_156 = arith.select %eq3A_151, %broadcast_in_dim3A_154, %broadcast_in_dim3A_155 : vector<64x8xi1>, vector<64x8xf32>
    %add3A_157 = arith.addf %select_n3A_149, %select_n3A_156 : vector<64x8xf32>
    %get3A_158 = arith.constant 0 : index
    %get3A_159 = arith.constant 0 : index
    %get3A_160 = vector.load %arg0[%get3A_158, %get3A_159] : memref<128x128xi32, #tpu.memory_space<vmem>>, vector<128x128xi32>
    %iota3A_161 = tpu.iota {dimensions = array<i32: 1>} : vector<1x8xi32>
    %broadcast_in_dim3A_162 = arith.constant 0.000000e+00 : f32
    %broadcast_in_dim3A_163 = vector.broadcast %broadcast_in_dim3A_162 : f32 to vector<1x8xf32>
    %eq3A_164 = arith.constant 0 : i32
    %eq3A_165 = vector.broadcast %eq3A_164 : i32 to vector<128x128xi32>
    %eq3A_166 = arith.cmpi eq, %get3A_160, %eq3A_165 : vector<128x128xi32>
    %jit3A_167 = arith.constant 1.000000e+00 : f32
    %jit3A_168 = arith.constant 0.000000e+00 : f32
    %broadcast_in_dim3A_169 = vector.broadcast %jit3A_167 : f32 to vector<128x128xf32>
    %broadcast_in_dim3A_170 = vector.broadcast %jit3A_168 : f32 to vector<128x128xf32>
    %select_n3A_171 = arith.select %eq3A_166, %broadcast_in_dim3A_169, %broadcast_in_dim3A_170 : vector<128x128xi1>, vector<128x128xf32>
    %reduce_sum3A_172 = vector.shape_cast %select_n3A_171 : vector<128x128xf32> to vector<1x128x128xf32>
    %reduce_sum3A_173 = arith.constant dense<0.000000e+00> : vector<1xf32>
    %reduce_sum3A_174 = vector.multi_reduction <add>, %reduce_sum3A_172, %reduce_sum3A_173 [1, 2] : vector<1x128x128xf32> to vector<1xf32>
    %reduce_sum3A_175 = vector.shape_cast %reduce_sum3A_174 : vector<1xf32> to vector<1x1x1xf32>
    %reduce_sum3A_176 = vector.extract %reduce_sum3A_175[0, 0, 0] : f32 from vector<1x1x1xf32>
    %eq3A_177 = arith.constant 0 : i32
    %eq3A_178 = vector.broadcast %eq3A_177 : i32 to vector<1x8xi32>
    %eq3A_179 = arith.cmpi eq, %iota3A_161, %eq3A_178 : vector<1x8xi32>
    %jit3A_180 = arith.constant 0.000000e+00 : f32
    %broadcast_in_dim3A_181 = vector.broadcast %reduce_sum3A_176 : f32 to vector<1x8xf32>
    %broadcast_in_dim3A_182 = vector.broadcast %jit3A_180 : f32 to vector<1x8xf32>
    %select_n3A_183 = arith.select %eq3A_179, %broadcast_in_dim3A_181, %broadcast_in_dim3A_182 : vector<1x8xi1>, vector<1x8xf32>
    %add3A_184 = arith.addf %broadcast_in_dim3A_163, %select_n3A_183 : vector<1x8xf32>
    %eq3A_185 = arith.constant 1 : i32
    %eq3A_186 = vector.broadcast %eq3A_185 : i32 to vector<128x128xi32>
    %eq3A_187 = arith.cmpi eq, %get3A_160, %eq3A_186 : vector<128x128xi32>
    %jit3A_188 = arith.constant 1.000000e+00 : f32
    %jit3A_189 = arith.constant 0.000000e+00 : f32
    %broadcast_in_dim3A_190 = vector.broadcast %jit3A_188 : f32 to vector<128x128xf32>
    %broadcast_in_dim3A_191 = vector.broadcast %jit3A_189 : f32 to vector<128x128xf32>
    %select_n3A_192 = arith.select %eq3A_187, %broadcast_in_dim3A_190, %broadcast_in_dim3A_191 : vector<128x128xi1>, vector<128x128xf32>
    %reduce_sum3A_193 = vector.shape_cast %select_n3A_192 : vector<128x128xf32> to vector<1x128x128xf32>
    %reduce_sum3A_194 = arith.constant dense<0.000000e+00> : vector<1xf32>
    %reduce_sum3A_195 = vector.multi_reduction <add>, %reduce_sum3A_193, %reduce_sum3A_194 [1, 2] : vector<1x128x128xf32> to vector<1xf32>
    %reduce_sum3A_196 = vector.shape_cast %reduce_sum3A_195 : vector<1xf32> to vector<1x1x1xf32>
    %reduce_sum3A_197 = vector.extract %reduce_sum3A_196[0, 0, 0] : f32 from vector<1x1x1xf32>
    %eq3A_198 = arith.constant 1 : i32
    %eq3A_199 = vector.broadcast %eq3A_198 : i32 to vector<1x8xi32>
    %eq3A_200 = arith.cmpi eq, %iota3A_161, %eq3A_199 : vector<1x8xi32>
    %jit3A_201 = arith.constant 0.000000e+00 : f32
    %broadcast_in_dim3A_202 = vector.broadcast %reduce_sum3A_197 : f32 to vector<1x8xf32>
    %broadcast_in_dim3A_203 = vector.broadcast %jit3A_201 : f32 to vector<1x8xf32>
    %select_n3A_204 = arith.select %eq3A_200, %broadcast_in_dim3A_202, %broadcast_in_dim3A_203 : vector<1x8xi1>, vector<1x8xf32>
    %add3A_205 = arith.addf %add3A_184, %select_n3A_204 : vector<1x8xf32>
    %eq3A_206 = arith.constant 2 : i32
    %eq3A_207 = vector.broadcast %eq3A_206 : i32 to vector<128x128xi32>
    %eq3A_208 = arith.cmpi eq, %get3A_160, %eq3A_207 : vector<128x128xi32>
    %jit3A_209 = arith.constant 1.000000e+00 : f32
    %jit3A_210 = arith.constant 0.000000e+00 : f32
    %broadcast_in_dim3A_211 = vector.broadcast %jit3A_209 : f32 to vector<128x128xf32>
    %broadcast_in_dim3A_212 = vector.broadcast %jit3A_210 : f32 to vector<128x128xf32>
    %select_n3A_213 = arith.select %eq3A_208, %broadcast_in_dim3A_211, %broadcast_in_dim3A_212 : vector<128x128xi1>, vector<128x128xf32>
    %reduce_sum3A_214 = vector.shape_cast %select_n3A_213 : vector<128x128xf32> to vector<1x128x128xf32>
    %reduce_sum3A_215 = arith.constant dense<0.000000e+00> : vector<1xf32>
    %reduce_sum3A_216 = vector.multi_reduction <add>, %reduce_sum3A_214, %reduce_sum3A_215 [1, 2] : vector<1x128x128xf32> to vector<1xf32>
    %reduce_sum3A_217 = vector.shape_cast %reduce_sum3A_216 : vector<1xf32> to vector<1x1x1xf32>
    %reduce_sum3A_218 = vector.extract %reduce_sum3A_217[0, 0, 0] : f32 from vector<1x1x1xf32>
    %eq3A_219 = arith.constant 2 : i32
    %eq3A_220 = vector.broadcast %eq3A_219 : i32 to vector<1x8xi32>
    %eq3A_221 = arith.cmpi eq, %iota3A_161, %eq3A_220 : vector<1x8xi32>
    %jit3A_222 = arith.constant 0.000000e+00 : f32
    %broadcast_in_dim3A_223 = vector.broadcast %reduce_sum3A_218 : f32 to vector<1x8xf32>
    %broadcast_in_dim3A_224 = vector.broadcast %jit3A_222 : f32 to vector<1x8xf32>
    %select_n3A_225 = arith.select %eq3A_221, %broadcast_in_dim3A_223, %broadcast_in_dim3A_224 : vector<1x8xi1>, vector<1x8xf32>
    %add3A_226 = arith.addf %add3A_205, %select_n3A_225 : vector<1x8xf32>
    %eq3A_227 = arith.constant 3 : i32
    %eq3A_228 = vector.broadcast %eq3A_227 : i32 to vector<128x128xi32>
    %eq3A_229 = arith.cmpi eq, %get3A_160, %eq3A_228 : vector<128x128xi32>
    %jit3A_230 = arith.constant 1.000000e+00 : f32
    %jit3A_231 = arith.constant 0.000000e+00 : f32
    %broadcast_in_dim3A_232 = vector.broadcast %jit3A_230 : f32 to vector<128x128xf32>
    %broadcast_in_dim3A_233 = vector.broadcast %jit3A_231 : f32 to vector<128x128xf32>
    %select_n3A_234 = arith.select %eq3A_229, %broadcast_in_dim3A_232, %broadcast_in_dim3A_233 : vector<128x128xi1>, vector<128x128xf32>
    %reduce_sum3A_235 = vector.shape_cast %select_n3A_234 : vector<128x128xf32> to vector<1x128x128xf32>
    %reduce_sum3A_236 = arith.constant dense<0.000000e+00> : vector<1xf32>
    %reduce_sum3A_237 = vector.multi_reduction <add>, %reduce_sum3A_235, %reduce_sum3A_236 [1, 2] : vector<1x128x128xf32> to vector<1xf32>
    %reduce_sum3A_238 = vector.shape_cast %reduce_sum3A_237 : vector<1xf32> to vector<1x1x1xf32>
    %reduce_sum3A_239 = vector.extract %reduce_sum3A_238[0, 0, 0] : f32 from vector<1x1x1xf32>
    %eq3A_240 = arith.constant 3 : i32
    %eq3A_241 = vector.broadcast %eq3A_240 : i32 to vector<1x8xi32>
    %eq3A_242 = arith.cmpi eq, %iota3A_161, %eq3A_241 : vector<1x8xi32>
    %jit3A_243 = arith.constant 0.000000e+00 : f32
    %broadcast_in_dim3A_244 = vector.broadcast %reduce_sum3A_239 : f32 to vector<1x8xf32>
    %broadcast_in_dim3A_245 = vector.broadcast %jit3A_243 : f32 to vector<1x8xf32>
    %select_n3A_246 = arith.select %eq3A_242, %broadcast_in_dim3A_244, %broadcast_in_dim3A_245 : vector<1x8xi1>, vector<1x8xf32>
    %add3A_247 = arith.addf %add3A_226, %select_n3A_246 : vector<1x8xf32>
    %eq3A_248 = arith.constant 4 : i32
    %eq3A_249 = vector.broadcast %eq3A_248 : i32 to vector<128x128xi32>
    %eq3A_250 = arith.cmpi eq, %get3A_160, %eq3A_249 : vector<128x128xi32>
    %jit3A_251 = arith.constant 1.000000e+00 : f32
    %jit3A_252 = arith.constant 0.000000e+00 : f32
    %broadcast_in_dim3A_253 = vector.broadcast %jit3A_251 : f32 to vector<128x128xf32>
    %broadcast_in_dim3A_254 = vector.broadcast %jit3A_252 : f32 to vector<128x128xf32>
    %select_n3A_255 = arith.select %eq3A_250, %broadcast_in_dim3A_253, %broadcast_in_dim3A_254 : vector<128x128xi1>, vector<128x128xf32>
    %reduce_sum3A_256 = vector.shape_cast %select_n3A_255 : vector<128x128xf32> to vector<1x128x128xf32>
    %reduce_sum3A_257 = arith.constant dense<0.000000e+00> : vector<1xf32>
    %reduce_sum3A_258 = vector.multi_reduction <add>, %reduce_sum3A_256, %reduce_sum3A_257 [1, 2] : vector<1x128x128xf32> to vector<1xf32>
    %reduce_sum3A_259 = vector.shape_cast %reduce_sum3A_258 : vector<1xf32> to vector<1x1x1xf32>
    %reduce_sum3A_260 = vector.extract %reduce_sum3A_259[0, 0, 0] : f32 from vector<1x1x1xf32>
    %eq3A_261 = arith.constant 4 : i32
    %eq3A_262 = vector.broadcast %eq3A_261 : i32 to vector<1x8xi32>
    %eq3A_263 = arith.cmpi eq, %iota3A_161, %eq3A_262 : vector<1x8xi32>
    %jit3A_264 = arith.constant 0.000000e+00 : f32
    %broadcast_in_dim3A_265 = vector.broadcast %reduce_sum3A_260 : f32 to vector<1x8xf32>
    %broadcast_in_dim3A_266 = vector.broadcast %jit3A_264 : f32 to vector<1x8xf32>
    %select_n3A_267 = arith.select %eq3A_263, %broadcast_in_dim3A_265, %broadcast_in_dim3A_266 : vector<1x8xi1>, vector<1x8xf32>
    %add3A_268 = arith.addf %add3A_247, %select_n3A_267 : vector<1x8xf32>
    %eq3A_269 = arith.constant 5 : i32
    %eq3A_270 = vector.broadcast %eq3A_269 : i32 to vector<128x128xi32>
    %eq3A_271 = arith.cmpi eq, %get3A_160, %eq3A_270 : vector<128x128xi32>
    %jit3A_272 = arith.constant 1.000000e+00 : f32
    %jit3A_273 = arith.constant 0.000000e+00 : f32
    %broadcast_in_dim3A_274 = vector.broadcast %jit3A_272 : f32 to vector<128x128xf32>
    %broadcast_in_dim3A_275 = vector.broadcast %jit3A_273 : f32 to vector<128x128xf32>
    %select_n3A_276 = arith.select %eq3A_271, %broadcast_in_dim3A_274, %broadcast_in_dim3A_275 : vector<128x128xi1>, vector<128x128xf32>
    %reduce_sum3A_277 = vector.shape_cast %select_n3A_276 : vector<128x128xf32> to vector<1x128x128xf32>
    %reduce_sum3A_278 = arith.constant dense<0.000000e+00> : vector<1xf32>
    %reduce_sum3A_279 = vector.multi_reduction <add>, %reduce_sum3A_277, %reduce_sum3A_278 [1, 2] : vector<1x128x128xf32> to vector<1xf32>
    %reduce_sum3A_280 = vector.shape_cast %reduce_sum3A_279 : vector<1xf32> to vector<1x1x1xf32>
    %reduce_sum3A_281 = vector.extract %reduce_sum3A_280[0, 0, 0] : f32 from vector<1x1x1xf32>
    %eq3A_282 = arith.constant 5 : i32
    %eq3A_283 = vector.broadcast %eq3A_282 : i32 to vector<1x8xi32>
    %eq3A_284 = arith.cmpi eq, %iota3A_161, %eq3A_283 : vector<1x8xi32>
    %jit3A_285 = arith.constant 0.000000e+00 : f32
    %broadcast_in_dim3A_286 = vector.broadcast %reduce_sum3A_281 : f32 to vector<1x8xf32>
    %broadcast_in_dim3A_287 = vector.broadcast %jit3A_285 : f32 to vector<1x8xf32>
    %select_n3A_288 = arith.select %eq3A_284, %broadcast_in_dim3A_286, %broadcast_in_dim3A_287 : vector<1x8xi1>, vector<1x8xf32>
    %add3A_289 = arith.addf %add3A_268, %select_n3A_288 : vector<1x8xf32>
    %dot_general3A_290 = arith.constant dense<0.000000e+00> : vector<1x64xf32>
    %dot_general3A_291 = tpu.matmul %add3A_289, %add3A_157, %dot_general3A_290 {dimension_numbers = #tpu.dot_dimension_numbers<[1], [1], [0], [0], [0, 0, 1, 0], [], []>, precision = #tpu.contract_precision<fp32>, transpose_lhs_hint = false} : vector<1x8xf32>, vector<64x8xf32>, vector<1x64xf32> -> vector<1x64xf32>
    %swap3A_292 = arith.constant 0 : index
    %swap3A_293 = arith.constant 0 : index
    %swap3A_294 = vector.load %arg8[%swap3A_292, %swap3A_293] : memref<1x64xf32, #tpu.memory_space<vmem>>, vector<1x64xf32>
    tpu.vector_store %arg8[%swap3A_292, %swap3A_293], %dot_general3A_291 {strides = array<i32>} : memref<1x64xf32, #tpu.memory_space<vmem>>, vector<1x64xf32>,
    return
  }
}

</mosaic_0001>

<sc_bundles>
// kernel: kernel.4.cloned.1.call-start
scs
__scs_entry_jumppad:
0x0: {  	(pc) =	sbr.rel $0x88, $3  }
0x1: {  	(tag) =	ssettag $0x0;
	lr =	simm.s32 $0x1  }
0x2: {  	[smem:$0x3F9B] =	sst lr;
	_ =	strace $0xD0000000  }
0x3: {  	_ = 	snop  }
0x4: {  	_ = 	snop  }
0x5: {  	_ = 	snop  }
0x6: {  	_ = 	snop  }
0x7: {  	_ = 	snop  }
__scs_overlays_trampoline_lowered:
0x8: {  	[smem:$0x3FAA] =	sst s0  }
0x9: {  	[smem:$0x3FAB] =	sst s1  }
0xa: {  	[smem:$0x3FAC] =	sst s2  }
0xb: {  	[smem:$0x3FAD] =	sst s3  }
0xc: {  	[smem:$0x3FAE] =	sst s4  }
0xd: {  	[smem:$0x3FAF] =	sst s5  }
0xe: {  	[smem:$0x3FB0] =	sst s6  }
0xf: {  	[smem:$0x3FB1] =	sst s7  }
0x10: {  	[smem:$0x3FB2] =	sst s8  }
0x11: {  	[smem:$0x3FB3] =	sst s9;
	s0 =	simm.s32 @!p0 $0x0  }
0x12: {  	s1 =	sld [smem:$0x3F99];
	s0 =	simm.s32 @p0 $0x1  }
0x13: {  	[smem:$0x3FB4] =	sst s0;
	s0 =	simm.s32 @!p1 $0x0  }
0x14: {  	s2 =	sld [smem:$0x3F98];
	s0 =	simm.s32 @p1 $0x1  }
0x15: {  	[smem:$0x3FB5] =	sst s0;
	s0 =	simm.s32 @!p2 $0x0  }
0x16: {  	s3 =	sld [smem:$0x3FDB];
	s0 =	simm.s32 @p2 $0x1  }
0x17: {  	s4 =	simm.s32 $0x1BF5;
	[smem:$0x3FB7] =	sst s0  }
0x18: {  	s0 =	sld [smem:$0x3F9A];
	_ =	swait.ge [sflag:s4], $0x0  }
0x19: {  	s7 =	sld [smem:$0x3F9B]  }
0x1a: {  	s8 =	sadd.s32 $0xFFFFE003, lr  }
0x1b: {  	s9 =	sadd.s32 $0xFFFFFEF7, lr;
	s5 =	simm.s32 $0xFFFFFFFF;
	p2 =	slt.u32 s8, $0xFFFFF086  }
0x1c: {  	p1 =	slt.u32 s9, $0xF7A;
	s5 =	simm.s32 @!p2 $0x0  }
0x1d: {  	s5 =	simm.s32 @p1 $0x1;
	p0 =	seq.s32 s7, s2  }
0x1e: {  	s7 =	smul.u32 @!p0 $0xF7A, s2;
	p2 =	seq.s32 @!p0 s5, $0x0  }
0x1f: {  	s9 =	smul.u32 $0xF7A, s1;
	s8 =	simm.s32 @!p0 $0x1BF5;
	p2 =	por !p2, p0  }
0x20: {  	[sflag:s8] =	ssyncset.s32 @!p0 $0xFFFFF086;
	s6 =	sadd.s32 @!p0 s3, s7;
	s7 =	simm.s32 @!p0 $0x108  }
0x21: {  	s3 =	sadd.s32 s3, s9;
	s6 =	sadd.s32 @!p0 $0x88, s6;
	s7 =	simm.s32 @p2 $0x1082  }
0x22: {  	[simem:s7], [sflag:s8] =	dma.local @!p0 [hbm:s6], $0xF7A  }
0x23: {  	s9 =	sor.u32 $0xD0000000, s2;
	s6 =	simm.s32 $0x108;
	_ =	swait.ge @!p0 [sflag:s8], $0x0  }
0x24: {  	s3 =	sadd.s32 $0x88, s3;
	s6 =	simm.s32 @!p1 $0x1082;
	[sflag:s4] =	ssyncset.s32 $0xFFFFF086  }
0x25: {  	[simem:s6], [sflag:s4] =	dma.local [hbm:s3], $0xF7A  }
0x26: {  	[smem:$0x3F9B] =	sst s1;
	(tag) =	ssettag s2;
	_ =	strace s9  }
0x27: {  	s1 =	sld [smem:$0x3FAB]  }
0x28: {  	s2 =	sld [smem:$0x3FAC]  }
0x29: {  	s4 =	sld [smem:$0x3FAE]  }
0x2a: {  	p0 =	seq.s32 s5, $0x0;
	s5 =	sld [smem:$0x3FAF]  }
0x2b: {  	s6 =	sld [smem:$0x3FB0]  }
0x2c: {  	s7 =	sld [smem:$0x3FB1]  }
0x2d: {  	s3 =	simm.s32 $0x108;
	s8 =	sld [smem:$0x3FB2]  }
0x2e: {  	s3 =	simm.s32 @!p0 $0x1082;
	s9 =	sld [smem:$0x3FB3]  }
0x2f: {  	lr =	sadd.s32 s0, s3;
	s0 =	sld [smem:$0x3FAA]  }
0x30: {  	s3 =	sld [smem:$0x3FAD]  }
0x31: {  	[smem:$0x3FB6] =	sst s10  }
0x32: {  	s10 =	sld [smem:$0x3FB4];
	_ =	sdelay $0x3  }
0x33: {  	p0 =	seq.s32 s10, $0x1;
	s10 =	sld [smem:$0x3FB6];
	_ =	sdelay $0x3  }
0x34: {  	[smem:$0x3FB6] =	sst s10  }
0x35: {  	s10 =	sld [smem:$0x3FB5];
	_ =	sdelay $0x3  }
0x36: {  	p1 =	seq.s32 s10, $0x1;
	s10 =	sld [smem:$0x3FB6];
	_ =	sdelay $0x3  }
0x37: {  	[smem:$0x3FB6] =	sst s10  }
0x38: {  	s10 =	sld [smem:$0x3FB7]  }
0x39: {  	_ = 	snop;
	(pc) =	sbr.ind lr, $3  }
0x3a: {  	_ = 	snop  }
0x3b: {  	_ = 	snop  }
0x3c: {  	p2 =	seq.s32 s10, $0x1;
	s10 =	sld [smem:$0x3FB6]  }
0x3d: {  	_ =	shalt  }
0x3e: {  	_ =	shalt  }
0x3f: {  	_ =	shalt  }
0x40: {  	_ =	shalt  }
0x41: {  	_ =	shalt  }
0x42: {  	_ =	shalt  }
0x43: {  	_ =	shalt  }
0x44: {  	_ =	shalt  }
0x45: {  	_ =	shalt  }
0x46: {  	_ =	shalt  }
0x47: {  	_ =	shalt  }
0x48: {  	_ =	shalt  }
0x49: {  	_ =	shalt  }
0x4a: {  	_ =	shalt  }
0x4b: {  	_ =	shalt  }
0x4c: {  	_ =	shalt  }
0x4d: {  	_ =	shalt  }
0x4e: {  	_ =	shalt  }
0x4f: {  	_ =	shalt  }
0x50: {  	_ =	shalt  }
0x51: {  	_ =	shalt  }
0x52: {  	_ =	shalt  }
0x53: {  	_ =	shalt  }
0x54: {  	_ =	shalt  }
0x55: {  	_ =	shalt  }
0x56: {  	_ =	shalt  }
0x57: {  	_ =	shalt  }
0x58: {  	_ =	shalt  }
0x59: {  	_ =	shalt  }
0x5a: {  	_ =	shalt  }
0x5b: {  	_ =	shalt  }
0x5c: {  	_ =	shalt  }
0x5d: {  	_ =	shalt  }
0x5e: {  	_ =	shalt  }
0x5f: {  	_ =	shalt  }
0x60: {  	_ =	shalt  }
0x61: {  	_ =	shalt  }
0x62: {  	_ =	shalt  }
0x63: {  	_ =	shalt  }
0x64: {  	_ =	shalt  }
0x65: {  	_ =	shalt  }
0x66: {  	_ =	shalt  }
0x67: {  	_ =	shalt  }
0x68: {  	_ =	shalt  }
0x69: {  	_ =	shalt  }
0x6a: {  	_ =	shalt  }
0x6b: {  	_ =	shalt  }
0x6c: {  	_ =	shalt  }
0x6d: {  	_ =	shalt  }
0x6e: {  	_ =	shalt  }
0x6f: {  	_ =	shalt  }
0x70: {  	_ =	shalt  }
0x71: {  	_ =	shalt  }
0x72: {  	_ =	shalt  }
0x73: {  	_ =	shalt  }
0x74: {  	_ =	shalt  }
0x75: {  	_ =	shalt  }
0x76: {  	_ =	shalt  }
0x77: {  	_ =	shalt  }
0x78: {  	_ =	shalt  }
0x79: {  	_ =	shalt  }
0x7a: {  	_ =	shalt  }
0x7b: {  	_ =	shalt  }
0x7c: {  	_ =	shalt  }
0x7d: {  	_ =	shalt  }
0x7e: {  	_ =	shalt  }
0x7f: {  	_ =	shalt  }
0x80: {  	_ =	shalt  }
0x81: {  	_ =	shalt  }
0x82: {  	_ =	shalt  }
0x83: {  	_ =	shalt  }
0x84: {  	_ =	shalt  }
0x85: {  	_ =	shalt  }
0x86: {  	_ =	shalt  }
0x87: {  	_ =	shalt  }
.Lfunc_end0:
.L_simem_size_0:
called_computation_lowered:
.L_overlay_start_0:
0x88: {  	s2 =	sld [smem:$0x3FD9]  }
0x89: {  	s3 =	sld [smem:$0x3FFE];
	_ =	sdelay $0x1  }
0x8a: {  	s1 =	srdreg.scid  }
0x8b: {  	s0 =	sand.u32 $0x1, s1  }
0x8c: {  	s14 =	sshll.u32 s0, $0xA;
	s2 =	sadd.s32 s3, s2  }
0x8d: {  	s2 =	sadd.s32 s2, s14  }
0x8e: {  	[smem:$0x3FC2] =	sst s2  }
0x8f: {  	_ = 	snop  }
0x90: {  	s2 =	sld [smem:$0x3FD0];
	_ =	sdelay $0x2  }
0x91: {  	s4 =	simm.s32 $0xA;
	s5 =	simm.s32 $0x10;
	s15 =	sld [smem:$0x3FC9]  }
0x92: {  	[smem:s5], [sflag:s4] =	dma.local [hbm:s2], $0x1  }
0x93: {  	_ =	swait.eq [sflag:s4], $0x1  }
0x94: {  	[sflag:s4] =	ssyncset.done $0x0  }
0x95: {  	[sflag:s4] =	ssyncadd.s32 $0xFFFFFFFF  }
0x96: {  	s16 =	sld [smem:$0x10];
	(tm) =	ssettm $0x1  }
0x97: {  	s17 =	sld [smem:$0x3FFB];
	_ =	sdelay $0x3  }
0x98: {  	_ =	strace s17  }
0x99: {  	s4 =	sld [smem:$0x3FFC];
	_ =	sdelay $0x3  }
0x9a: {  	_ =	strace s4  }
0x9b: {  	s4 =	sld [smem:$0x3FFD];
	_ =	sdelay $0x3  }
0x9c: {  	_ =	strace s4  }
0x9d: {  	_ =	strace $0x8FFFFFFF  }
0x9e: {  	s18 =	sld [smem:$0x3FDB];
	_ =	sdelay $0x1  }
0x9f: {  	s19 =	simm.s32 $_scs_section_size  }
0xa0: {  	s6 =	simm.s32 $_size__tile_overlayer_lowered;
	s7 =	simm.s32 $_tile_overlayer_lowered  }
0xa1: {  	s22 =	simm.s32 $0x1BFF;
	s21 =	sshll.u32 s7, $0x1;
	s4 =	sadd.s32 s19, s18  }
0xa2: {  	s8 =	simm.s32 $0x0;
	s20 =	sshll.u32 s6, $0x1;
	s6 =	sadd.s32 s21, s4  }
0xa3: {  	[timem:s8], [sflag:s22] =	dma.local [hbm:s6], s20  }
0xa4: {  	_ =	swait.ge [sflag:s22], s20  }
0xa5: {  	s5 =	ssub.s32 $0x0, s20;
	[sflag:s22] =	ssyncset.done $0x0  }
0xa6: {  	[sflag:s22] =	ssyncadd.s32 s5;
	_ =	sdelay $0x1  }
0xa7: {  	s23 =	simm.s32 $0x1B8B  }
0xa8: {  	_ =	swait.ge [sflag:s23], $0x1  }
0xa9: {  	[sflag:s23] =	ssyncset.done $0x0  }
0xaa: {  	s25 =	simm.s32 $0x1B8E;
	s24 =	sld [smem:$0x3FFE];
	[sflag:s23] =	ssyncadd.s32 $0xFFFFFFFF  }
0xab: {  	s26 =	simm.s32 $execute0_lowered;
	[smem:$0x3FD2] =	sst s25  }
0xac: {  	s6 =	sshll.u32 s26, $0x1;
	_ =	strace $0x80000046;
	[dreg:$0x1] =	wrdreg $0xFFFFFFFF  }
0xad: {  	s28 =	simm.s32 $_size_execute0_lowered;
	s4 =	sadd.s32 s4, s6;
	[dreg:$0x0] =	wrdreg $0x0  }
0xae: {  	s6 =	sshll.u32 s28, $0x1;
	[dreg:$0x2] =	wrdreg s4  }
0xaf: {  	[dreg:$0x3] =	wrdreg s6  }
0xb0: {  	[dreg:$0x4] =	wrdreg $0xC0  }
0xb1: {  	_ =	task [dreg:s8], $0x5FFFF  }
0xb2: {  	[dreg:$0x1] =	wrdreg $0xFFFFFFFF  }
0xb3: {  	[dreg:$0x0] =	wrdreg $0x60  }
0xb4: {  	[dreg:$0x2] =	wrdreg s24  }
0xb5: {  	[dreg:$0x3] =	wrdreg s15  }
0xb6: {  	[dreg:$0x4] =	wrdreg s16  }
0xb7: {  	[dreg:$0x5] =	wrdreg $0x9  }
0xb8: {  	_ =	task.clear_ibuf [dreg:s8], $0x6FFFF;
	_ =	strace $0x90000046  }
0xb9: {  	s29 =	simm.s32 $0x9;
	_ =	strace $0x80000048  }
0xba: {  	_ =	swait.ge [sflag:s29], $0x1  }
0xbb: {  	[sflag:s29] =	ssyncadd.s32 $0xFFFFFFFF  }
0xbc: {  	_ =	strace $0x90000048  }
0xbd: {  	_ =	sfence  }
0xbe: {  	s30 =	sld [smem:$0x0];
	_ =	sdelay $0x2  }
0xbf: {  	s31 =	sshll.u32 s1, $0xD;
	s1 =	sshrl.u32 s1, $0x2  }
0xc0: {  	s3 =	sand.u32 $0x4000, s31;
	s1 =	sadd.s32 s1, s30  }
0xc1: {  	s0 =	sor.u32 s3, s0;
	s1 =	sshll.u32 s1, $0x11  }
0xc2: {  	s0 =	sor.u32 s1, s0  }
0xc3: {  	s0 =	sadd.s32 $0x8F2B, s0  }
0xc4: {  	[sflag:s0] =	ssyncadd.remote.s32 $0x1  }
0xc5: {  	_ =	sfence.sel $0xFFFF  }
0xc6: {  	[dreg:$0x0] =	wrdreg $0xFFFFFFFF;
	(pc) =	sbr.abs _section_cstart, $3  }
0xc7: {  	[dreg:$0x1] =	wrdreg $0xFFFFFFFF  }
0xc8: {  	_ =	task.clear_ibuf [dreg:s8], $0x2FFFF;
	_ =	strace $0x9FFFFFFF  }
0xc9: {  	(tm) =	ssettm $0x7FFFFFFF  }
tec
execute0_lowered:
.L_overlay_start_1:
0x0: {  	(tag) =	ssettag $0x1  }
0x1: {  	s0 =	rddreg [dreg:$0x0]  }
0x2: {  	s6 =	rddreg [dreg:$0x1]  }
0x3: {  	s5 =	rddreg [dreg:$0x2];
	s2 =	simm.s32 $0x0  }
0x4: {  	s3 =	srdreg.scid;
	s1 =	stileid.u32;
	s15 =	simm.s32 $0x8000  }
0x5: {  	s16 =	simm.s32 $0x8010;
	s17 =	simm.s32 $0x8020;
	s18 =	simm.s32 $0x1  }
0x6: {  	s19 =	simm.s32 $0x1000;
	s20 =	simm.s32 $0x2000;
	s21 =	simm.s32 $0x3000  }
0x7: {  	s22 =	simm.s32 $0x4000;
	s23 =	simm.s32 $0x5000;
	s24 =	simm.s32 $0x6000  }
0x8: {  	s25 =	simm.s32 $0x7000;
	s26 =	simm.s32 $0x0;
	[smem:$0x7FF] =	sst s2  }
0x9: {  	s4 =	sand.u32 $0x1, s3;
	s7 =	sshll.u32 s1, $0x1;
	s3 =	sadd.s32 $0x1600, s0  }
0xa: {  	_ =	strace $0x80000047;
	s8 =	ssub.s32 $0x2, s4;
	s7 =	sor.u32 s4, s7  }
0xb: {  	s4 =	sadd.s32 $0x1800, s0;
	s31 =	sshrl.u32 s8, $0x1;
	s9 =	sshll.u32 s7, $0x9  }
0xc: {  	s7 =	sshll.u32 s7, $0x6;
	s0 =	ssub.s32 s8, s31;
	s5 =	sadd.s32 s5, s9  }
0xd: {  	s6 =	sadd.s32 s6, s7;
	s7 =	sadd.s32 $0x4000, s5;
	s8 =	sadd.s32 $0x8000, s5  }
0xe: {  	v0 =	vlaneseq.u32;
	s9 =	sadd.s32 $0xC000, s5;
	s10 =	sadd.s32 $0x10000, s5;
	s11 =	sadd.s32 $0x14000, s5  }
0xf: {  	v1 =	vimm.f32 $0.0e+00;
	v2 =	vor.u32 $0xC78, v0;
	s12 =	sadd.s32 $0x18000, s5;
	s13 =	sadd.s32 $0x1C000, s5;
	s14 =	smax.u32 s0, $0x1  }
.LBB2_1:
0x10: {  	[tilespmem:s15], [sflag:$0x1] =	stream.linear.gather [hbm4b:s3+s2], $0x10, $0x38;
	[tilespmem:$0x8220] =	vst v63  }
0x11: {  	_ = 	snop  }
0x12: {  	[tilespmem:s16], [sflag:$0x1] =	stream.linear.gather [hbm4b:s4+s2], $0x10, $0x38;
	[tilespmem:$0x8220] =	vst v63  }
0x13: {  	s28 =	simm.s32 $0x100  }
0x14: {  	[tilespmem:s17], [sflag:$0x1] =	stream.linear.gather [hbm4b:s6+s2], $0x200, $0x38;
	[tilespmem:$0x8220] =	vst v63  }
0x15: {  	[tilespmem:s28+$0xFFFFFF00] =	vst v1  }
0x16: {  	[tilespmem:s28+$0xF0] =	vst v1  }
0x17: {  	[tilespmem:s28+$0xE0] =	vst v1  }
0x18: {  	[tilespmem:s28+$0xD0] =	vst v1  }
0x19: {  	[tilespmem:s28+$0xC0] =	vst v1  }
0x1a: {  	[tilespmem:s28+$0xB0] =	vst v1  }
0x1b: {  	[tilespmem:s28+$0xA0] =	vst v1  }
0x1c: {  	[tilespmem:s28+$0x90] =	vst v1  }
0x1d: {  	[tilespmem:s28+$0x80] =	vst v1  }
0x1e: {  	[tilespmem:s28+$0x70] =	vst v1  }
0x1f: {  	[tilespmem:s28+$0x60] =	vst v1  }
0x20: {  	[tilespmem:s28+$0x50] =	vst v1  }
0x21: {  	[tilespmem:s28+$0x40] =	vst v1  }
0x22: {  	[tilespmem:s28+$0x30] =	vst v1  }
0x23: {  	[tilespmem:s28+$0x20] =	vst v1  }
0x24: {  	[tilespmem:s28+$0x10] =	vst v1  }
0x25: {  	[tilespmem:s28+$0x0] =	vst v1  }
0x26: {  	[tilespmem:s28+$0xFFFFFFF0] =	vst v1  }
0x27: {  	[tilespmem:s28+$0xFFFFFFE0] =	vst v1  }
0x28: {  	[tilespmem:s28+$0xFFFFFFD0] =	vst v1  }
0x29: {  	[tilespmem:s28+$0xFFFFFFC0] =	vst v1  }
0x2a: {  	[tilespmem:s28+$0xFFFFFFB0] =	vst v1  }
0x2b: {  	[tilespmem:s28+$0xFFFFFFA0] =	vst v1  }
0x2c: {  	[tilespmem:s28+$0xFFFFFF90] =	vst v1  }
0x2d: {  	[tilespmem:s28+$0xFFFFFF80] =	vst v1  }
0x2e: {  	[tilespmem:s28+$0xFFFFFF70] =	vst v1  }
0x2f: {  	[tilespmem:s28+$0xFFFFFF60] =	vst v1  }
0x30: {  	[tilespmem:s28+$0xFFFFFF50] =	vst v1  }
0x31: {  	[tilespmem:s28+$0xFFFFFF40] =	vst v1  }
0x32: {  	[tilespmem:s28+$0xFFFFFF30] =	vst v1  }
0x33: {  	s29 =	simm.s32 $0x0;
	[tilespmem:s28+$0xFFFFFF20] =	vst v1  }
.LBB2_2:
0x34: {  	s29 =	sadd.s32 $0x200, s29;
	[tilespmem:s28+$0xFFFFFF10] =	vst v1;
	s28 =	sadd.s32 $0x200, s28  }
0x35: {  	[tilespmem:s28+$0xFFFFFF00] =	vst v1;
	p0 =	slt.u32 s29, $0x7E00  }
0x36: {  	[tilespmem:s28+$0xF0] =	vst v1  }
0x37: {  	[tilespmem:s28+$0xE0] =	vst v1  }
0x38: {  	[tilespmem:s28+$0xD0] =	vst v1  }
0x39: {  	[tilespmem:s28+$0xC0] =	vst v1  }
0x3a: {  	[tilespmem:s28+$0xB0] =	vst v1  }
0x3b: {  	[tilespmem:s28+$0xA0] =	vst v1  }
0x3c: {  	[tilespmem:s28+$0x90] =	vst v1  }
0x3d: {  	[tilespmem:s28+$0x80] =	vst v1  }
0x3e: {  	[tilespmem:s28+$0x70] =	vst v1  }
0x3f: {  	[tilespmem:s28+$0x60] =	vst v1  }
0x40: {  	[tilespmem:s28+$0x50] =	vst v1  }
0x41: {  	[tilespmem:s28+$0x40] =	vst v1  }
0x42: {  	[tilespmem:s28+$0x30] =	vst v1  }
0x43: {  	[tilespmem:s28+$0x20] =	vst v1  }
0x44: {  	[tilespmem:s28+$0x10] =	vst v1  }
0x45: {  	[tilespmem:s28+$0x0] =	vst v1  }
0x46: {  	[tilespmem:s28+$0xFFFFFFF0] =	vst v1  }
0x47: {  	[tilespmem:s28+$0xFFFFFFE0] =	vst v1  }
0x48: {  	[tilespmem:s28+$0xFFFFFFD0] =	vst v1  }
0x49: {  	[tilespmem:s28+$0xFFFFFFC0] =	vst v1  }
0x4a: {  	[tilespmem:s28+$0xFFFFFFB0] =	vst v1  }
0x4b: {  	[tilespmem:s28+$0xFFFFFFA0] =	vst v1  }
0x4c: {  	[tilespmem:s28+$0xFFFFFF90] =	vst v1  }
0x4d: {  	[tilespmem:s28+$0xFFFFFF80] =	vst v1  }
0x4e: {  	[tilespmem:s28+$0xFFFFFF70] =	vst v1  }
.Ltmp0:
0x4f: {  	[tilespmem:s28+$0xFFFFFF60] =	vst v1;
	(pc) =	sbr.rel @p0 .LBB2_2-.Ltmp0, $4  }
0x50: {  	[tilespmem:s28+$0xFFFFFF50] =	vst v1  }
0x51: {  	[tilespmem:s28+$0xFFFFFF40] =	vst v1  }
0x52: {  	[tilespmem:s28+$0xFFFFFF30] =	vst v1  }
0x53: {  	[tilespmem:s28+$0xFFFFFF20] =	vst v1  }
0x54: {  	[tilespmem:s28+$0xFFFFFF10] =	vst v1  }
0x55: {  	_ =	swait.ge [sflag:s18], $0x10  }
0x56: {  	[sflag:s18] =	ssyncset.done $0x0  }
0x57: {  	[sflag:s18] =	ssyncadd.s32 $0xFFFFFFF0  }
0x58: {  	_ =	swait.ge [sflag:s18], $0x10  }
0x59: {  	[sflag:s18] =	ssyncset.done $0x0  }
0x5a: {  	[sflag:s18] =	ssyncadd.s32 $0xFFFFFFF0  }
0x5b: {  	_ =	swait.ge [sflag:s18], $0x200  }
0x5c: {  	[sflag:s18] =	ssyncset.done $0x0  }
0x5d: {  	s0 =	simm.s32 $0x8020;
	[sflag:s18] =	ssyncadd.s32 $0xFFFFFE00  }
0x5e: {  	v4 =	vld [tilespmem:s0+$0x0];
	_ =	sdelay $0x4  }
0x5f: {  	v7 =	vadd.s32 $0x8, v4  }
0x60: {  	s0 =	simm.s32 $0x8030  }
0x61: {  	v3 =	vld [tilespmem:s0+$0x0]  }
0x62: {  	v5 =	vld.idx.msk [tilespmem:v4+s15+$0x0], $0xffff;
	_ =	sdelay $0x1  }
0x63: {  	s0 =	simm.s32 $0x0;
	v8 =	vld.idx.msk [tilespmem:v7+s15+$0x0], $0xffff  }
0x64: {  	s29 =	simm.s32 $0x0;
	s0 =	sand.u32 $0xC00, s0  }
0x65: {  	s0 =	sor.u32 s29, s0  }
0x66: {  	v12 =	vor.u32 s0, v0;
	v6 =	vadd.s32 $0x8, v3;
	v9 =	vshll.u32 v5, $0x9  }
0x67: {  	v12 =	vand.u32 v2, v12;
	v4 =	vld.idx.msk [tilespmem:v4+s16+$0x0], $0xffff;
	v10 =	vshll.u32 v5, $0x7;
	v9 =	vand.u32 $0xFFFFF000, v9  }
0x68: {  	s28 =	simm.s32 $0x8040;
	v13 =	vld.idx.msk [tilespmem:v3+s15+$0x0], $0xffff;
	v10 =	vand.u32 $0x380, v10;
	v11 =	vshll.u32 v8, $0x9;
	v8 =	vshll.u32 v8, $0x7  }
0x69: {  	v5 =	vld [tilespmem:s28+$0x0];
	v9 =	vor.u32 v9, v10;
	v11 =	vand.u32 $0xFFFFF000, v11;
	v8 =	vand.u32 $0x380, v8  }
0x6a: {  	v7 =	vld.idx.msk [tilespmem:v7+s16+$0x0], $0xffff;
	v10 =	vor.u32 v12, v9;
	v8 =	vor.u32 v11, v8  }
0x6b: {  	v11 =	vld.idx.msk [tilespmem:v6+s15+$0x0], $0xffff;
	v9 =	vor.u32 v12, v8;
	_ =	sdelay $0x1  }
0x6c: {  	s30 =	simm.s32 $0x80  }
0x6d: {  	s31 =	simm.s32 $0x10;
	s29 =	simm.s32 $0x20;
	s0 =	sand.u32 $0xC00, s30;
	v8 =	vadd.s32 $0x8, v5;
	v12 =	vshll.u32 v13, $0x9;
	v13 =	vshll.u32 v13, $0x7  }
.LBB2_4:
0x6e: {  	s0 =	sor.u32 s31, s0;
	v12 =	vand.u32 $0xFFFFF000, v12;
	v13 =	vand.u32 $0x380, v13;
	[tilespmem:v10+s2+$0x0] =	vst.idx.msk $0xffff, v4;
	v4 =	vld.idx.msk [tilespmem:v3+s16+$0x0], $0xffff;
	v3 =	vmov v5;
	s31 =	smov.u32 s29;
	s29 =	sadd.s32 $0x10, s29  }
0x6f: {  	v10 =	vshll.u32 v11, $0x9;
	v11 =	vshll.u32 v11, $0x7;
	p0 =	slt.u32 s29, $0x1F0;
	v12 =	vor.u32 v12, v13;
	[tilespmem:v9+s2+$0x0] =	vst.idx.msk $0xffff, v7;
	v7 =	vld.idx.msk [tilespmem:v6+s16+$0x0], $0xffff  }
0x70: {  	s28 =	sadd.s32 $0x10, s28;
	v9 =	vor.u32 s0, v0;
	v10 =	vand.u32 $0xFFFFF000, v10;
	v11 =	vand.u32 $0x380, v11;
	v6 =	vmovc v8;
	v13 =	vld.idx.msk [tilespmem:v5+s15+$0x0], $0xffff  }
0x71: {  	v9 =	vand.u32 v2, v9;
	v14 =	vor.u32 v10, v11;
	v5 =	vld [tilespmem:s28+$0x0]  }
.Ltmp1:
0x72: {  	v10 =	vor.u32 v9, v12;
	v9 =	vor.u32 v9, v14;
	v11 =	vld.idx.msk [tilespmem:v8+s15+$0x0], $0xffff;
	(pc) =	sbr.rel @p0 .LBB2_4-.Ltmp1, $3  }
0x73: {  	_ =	sdelay $0x1  }
0x74: {  	s30 =	sadd.s32 $0x80, s30  }
0x75: {  	s0 =	sand.u32 $0xC00, s30;
	v12 =	vshll.u32 v13, $0x9;
	v13 =	vshll.u32 v13, $0x7;
	v8 =	vadd.s32 $0x8, v5  }
0x76: {  	_ =	sdelay $0x3  }
0x77: {  	v14 =	vld.idx.msk [tilespmem:v5+s15+$0x0], $0xffff  }
0x78: {  	s0 =	sor.u32 s31, s0;
	v12 =	vand.u32 $0xFFFFF000, v12;
	v13 =	vand.u32 $0x380, v13;
	v15 =	vshll.u32 v11, $0x9;
	v16 =	vld.idx.msk [tilespmem:v8+s15+$0x0], $0xffff  }
0x79: {  	v56 =	vshll.u32 v11, $0x7;
	s31 =	sadd.s32 $0x80, s30;
	v12 =	vor.u32 v12, v13;
	v57 =	vor.u32 s0, v0  }
0x7a: {  	v15 =	vand.u32 $0xFFFFF000, v15;
	v11 =	vand.u32 $0x380, v56;
	s0 =	sand.u32 $0xC00, s31;
	v13 =	vand.u32 v2, v57  }
0x7b: {  	v11 =	vor.u32 v15, v11;
	s0 =	sor.u32 s29, s0;
	v12 =	vor.u32 v13, v12  }
0x7c: {  	v11 =	vor.u32 v13, v11;
	v60 =	vor.u32 s0, v0;
	v58 =	vshll.u32 v14, $0x9  }
0x7d: {  	v14 =	vshll.u32 v14, $0x7;
	v59 =	vshll.u32 v16, $0x9;
	v16 =	vshll.u32 v16, $0x7  }
0x7e: {  	v3 =	vld.idx.msk [tilespmem:v3+s16+$0x0], $0xffff;
	v13 =	vand.u32 $0xFFFFF000, v58;
	v14 =	vand.u32 $0x380, v14;
	v15 =	vand.u32 $0xFFFFF000, v59  }
0x7f: {  	v6 =	vld.idx.msk [tilespmem:v6+s16+$0x0], $0xffff;
	v16 =	vand.u32 $0x380, v16;
	v13 =	vor.u32 v13, v14;
	v14 =	vand.u32 v2, v60  }
0x80: {  	v61 =	vld.idx.msk [tilespmem:v5+s16+$0x0], $0xffff;
	v15 =	vor.u32 v15, v16;
	v13 =	vor.u32 v14, v13  }
0x81: {  	[tilespmem:v10+s2+$0x0] =	vst.idx.msk $0xffff, v4;
	v62 =	vld.idx.msk [tilespmem:v8+s16+$0x0], $0xffff;
	v63 =	vor.u32 v14, v15  }
0x82: {  	[tilespmem:v9+s2+$0x0] =	vst.idx.msk $0xffff, v7  }
0x83: {  	[tilespmem:v12+s2+$0x0] =	vst.idx.msk $0xffff, v3  }
0x84: {  	[tilespmem:v11+s2+$0x0] =	vst.idx.msk $0xffff, v6  }
0x85: {  	[tilespmem:v13+s2+$0x0] =	vst.idx.msk $0xffff, v61  }
0x86: {  	[tilespmem:v63+s2+$0x0] =	vst.idx.msk $0xffff, v62  }
0x87: {  	[hbm4b:s5+s2] =	stream.linear.scatter [tilespmem:s2], [sflag:$0x1], $0x1000, $0x38;
	[tilespmem:$0x8220] =	vst v63  }
0x88: {  	_ = 	snop  }
0x89: {  	[hbm4b:s7+s2] =	stream.linear.scatter [tilespmem:s19], [sflag:$0x1], $0x1000, $0x38;
	[tilespmem:$0x8220] =	vst v63  }
0x8a: {  	_ = 	snop  }
0x8b: {  	[hbm4b:s8+s2] =	stream.linear.scatter [tilespmem:s20], [sflag:$0x1], $0x1000, $0x38;
	[tilespmem:$0x8220] =	vst v63  }
0x8c: {  	_ = 	snop  }
0x8d: {  	[hbm4b:s9+s2] =	stream.linear.scatter [tilespmem:s21], [sflag:$0x1], $0x1000, $0x38;
	[tilespmem:$0x8220] =	vst v63  }
0x8e: {  	_ = 	snop  }
0x8f: {  	[hbm4b:s10+s2] =	stream.linear.scatter [tilespmem:s22], [sflag:$0x1], $0x1000, $0x38;
	[tilespmem:$0x8220] =	vst v63  }
0x90: {  	_ = 	snop  }
0x91: {  	[hbm4b:s11+s2] =	stream.linear.scatter [tilespmem:s23], [sflag:$0x1], $0x1000, $0x38;
	[tilespmem:$0x8220] =	vst v63  }
0x92: {  	_ = 	snop  }
0x93: {  	[hbm4b:s12+s2] =	stream.linear.scatter [tilespmem:s24], [sflag:$0x1], $0x1000, $0x38;
	[tilespmem:$0x8220] =	vst v63  }
0x94: {  	_ = 	snop  }
0x95: {  	[hbm4b:s13+s2] =	stream.linear.scatter [tilespmem:s25], [sflag:$0x1], $0x1000, $0x38;
	[tilespmem:$0x8220] =	vst v63  }
0x96: {  	_ =	swait.ge [sflag:s18], $0x1000  }
0x97: {  	[sflag:s18] =	ssyncset.done $0x0  }
0x98: {  	[sflag:s18] =	ssyncadd.s32 $0xFFFFF000  }
0x99: {  	_ =	swait.ge [sflag:s18], $0x1000  }
0x9a: {  	[sflag:s18] =	ssyncset.done $0x0  }
0x9b: {  	[sflag:s18] =	ssyncadd.s32 $0xFFFFF000  }
0x9c: {  	_ =	swait.ge [sflag:s18], $0x1000  }
0x9d: {  	[sflag:s18] =	ssyncset.done $0x0  }
0x9e: {  	[sflag:s18] =	ssyncadd.s32 $0xFFFFF000  }
0x9f: {  	_ =	swait.ge [sflag:s18], $0x1000  }
0xa0: {  	[sflag:s18] =	ssyncset.done $0x0  }
0xa1: {  	[sflag:s18] =	ssyncadd.s32 $0xFFFFF000  }
0xa2: {  	_ =	swait.ge [sflag:s18], $0x1000  }
0xa3: {  	[sflag:s18] =	ssyncset.done $0x0  }
0xa4: {  	[sflag:s18] =	ssyncadd.s32 $0xFFFFF000  }
0xa5: {  	_ =	swait.ge [sflag:s18], $0x1000  }
0xa6: {  	[sflag:s18] =	ssyncset.done $0x0  }
0xa7: {  	s26 =	sadd.s32 $0x1, s26;
	[sflag:s18] =	ssyncadd.s32 $0xFFFFF000  }
0xa8: {  	p0 =	sne.s32 s26, s14;
	_ =	swait.ge [sflag:s18], $0x1000  }
.Ltmp2:
0xa9: {  	[sflag:s18] =	ssyncset.done $0x0;
	(pc) =	sbr.rel @p0 .LBB2_1-.Ltmp2, $4  }
0xaa: {  	[sflag:s18] =	ssyncadd.s32 $0xFFFFF000  }
0xab: {  	_ =	swait.ge [sflag:s18], $0x1000  }
0xac: {  	[sflag:s18] =	ssyncset.done $0x0  }
0xad: {  	[sflag:s18] =	ssyncadd.s32 $0xFFFFF000  }
0xae: {  	_ =	sfence.sel $0x180000  }
0xaf: {  	[bflag:$0x0] =	sbarrier.arrive $0xFFFF  }
0xb0: {  	_ =	strace $0x90000047  }
0xb1: {  	[bflag:$0x2] =	sbarrier.arrive $0xFFFF  }
0xb2: {  	p0 =	sne.s32 s1, $0x0;
	s0 =	rddreg [dreg:$0x3]  }
0xb3: {  	s0 =	sadd.s32 @!p0 $0x100000, s0  }
0xb4: {  	[sflag:s0] =	ssyncadd.tile.s32 @!p0 $0x1;
	_ =	shalt  }
.Lfunc_end2:
_tile_overlayer_lowered:
.L_overlay_start_2:
0xb5: {  	(tag) =	ssettag $0x2  }
0xb6: {  	s0 =	rddreg [dreg:$0x0];
	s2 =	stileid.u32  }
0xb7: {  	s1 =	rddreg [dreg:$0x1];
	p0 =	sne.s32 s2, $0x0  }
0xb8: {  	s3 =	rddreg [dreg:$0x2];
	[bflag:$0x3] =	sbarrier.arrive $0xFFFF;
	s2 =	simm.s32 @!p0 $0x1C02  }
0xb9: {  	[timem:s3], [sflag:s2] =	dma.local @!p0 [hbm:s0], s1  }
0xba: {  	s0 =	simm.s32 @!p0 $0x2  }
0xbb: {  	_ =	swait.ge @!p0 [sflag:s0], s1  }
0xbc: {  	s1 =	ssub.s32 @!p0 $0x0, s1;
	[sflag:s0] =	ssyncset.done @!p0 $0x0  }
0xbd: {  	[sflag:s0] =	ssyncadd.s32 @!p0 s1  }
0xbe: {  	[bflag:$0x3] =	sbarrier.arrive $0xFFFF  }
0xbf: {  	_ =	shalt  }

</sc_bundles>
